<compile_context>
chip_gen: v7x
topology: tpu7x:2x2x1
jax: 0.10.2.dev20260603
libtpu: 0.0.44.dev20260713+nightly
codegen_flags: <defaults>
</compile_context>

<pallas_src>
import functools

import jax
import jax.numpy as jnp
from jax import lax
from jax.experimental import pallas as pl
from jax.experimental.pallas import tpu as pltpu
from jax.experimental.pallas import tpu_sc as plsc

_CODE_DIM = 256
_NUM_CB = 4
_CB_SIZE = 1024
_SUB = _CODE_DIM // _NUM_CB

_ROWS = 2048
_SC_CHUNK = 1024


def _vq_kernel(z_ref, w_ref, wneg2_ref,
               idx_ref, loss_ref, perp_ref,
               loss_acc, c0, c1, c2, c3, *, n_rows, n_blocks):
    i = pl.program_id(0)
    counts = (c0, c1, c2, c3)

    @pl.when(i == 0)
    def _init():
        loss_acc[0] = 0.0
        for c in range(_NUM_CB):
            counts[c][...] = jnp.zeros((1, _CB_SIZE), jnp.float32)

    z = z_ref[...]
    loss_sum = loss_acc[0]
    lane_iota = jax.lax.broadcasted_iota(jnp.int32, (_ROWS, _CB_SIZE), 1)
    lane_iota_f = lane_iota.astype(jnp.float32)
    ones_row = jnp.ones((1, _ROWS), jnp.bfloat16)
    idx_parts = []
    for c in range(_NUM_CB):
        z_c = z[:, c * _SUB:(c + 1) * _SUB]
        w = w_ref[c]
        zz = jnp.sum(z_c * z_c, axis=1, keepdims=True)
        ww = jnp.sum(w * w, axis=1)[None, :]
        cross2 = jax.lax.dot_general(
            z_c, wneg2_ref[c], (((1,), (1,)), ((), ())),
            preferred_element_type=jnp.float32)
        dist = zz + cross2 + ww
        mind = jnp.min(dist, axis=1, keepdims=True)
        hit = dist == mind
        idxf = jnp.min(jnp.where(hit, lane_iota_f, 2048.0), axis=1)
        idx = idxf.astype(jnp.int32)
        onemask = lane_iota == idx[:, None]
        oh_b = onemask.astype(jnp.bfloat16)
        counts[c][...] += jax.lax.dot_general(
            ones_row, oh_b, (((1,), (0,)), ((), ())),
            preferred_element_type=jnp.float32)
        loss_sum = loss_sum + jnp.sum(mind)
        idx_parts.append(idx + (c * _CB_SIZE))
    idx_ref[...] = jnp.stack(idx_parts, axis=1)
    loss_acc[0] = loss_sum

    @pl.when(i == n_blocks - 1)
    def _finalize():
        loss_val = loss_acc[0] / float(_NUM_CB * n_rows * _SUB)
        loss_ref[...] = jnp.full((1, 1), loss_val, jnp.float32)
        perp = jnp.zeros((), jnp.float32)
        for c in range(_NUM_CB):
            p = counts[c][...] / float(n_rows)
            ent = -jnp.sum(p * jnp.log(jnp.clip(p, 1e-08)))
            perp = perp + jnp.exp(ent)
        perp_ref[...] = jnp.full((1, 1), perp / float(_NUM_CB), jnp.float32)


def _tc_call(zf, W, w_neg2, n, D, C, K, sub):
    n_blocks = n // _ROWS
    out_shapes = (
        jax.ShapeDtypeStruct((n, C), jnp.int32),
        jax.ShapeDtypeStruct((1, 1), jnp.float32),
        jax.ShapeDtypeStruct((1, 1), jnp.float32),
    )
    out_specs = (
        pl.BlockSpec((_ROWS, C), lambda i: (i, 0)),
        pl.BlockSpec((1, 1), lambda i: (0, 0)),
        pl.BlockSpec((1, 1), lambda i: (0, 0)),
    )
    in_specs = [
        pl.BlockSpec((_ROWS, D), lambda i: (i, 0)),
        pl.BlockSpec((C, K, sub), lambda i: (0, 0, 0)),
        pl.BlockSpec((C, K, sub), lambda i: (0, 0, 0)),
    ]
    scratch = [pltpu.SMEM((1,), jnp.float32)] + \
        [pltpu.VMEM((1, K), jnp.float32) for _ in range(C)]
    return pl.pallas_call(
        functools.partial(_vq_kernel, n_rows=n, n_blocks=n_blocks),
        grid=(n_blocks,),
        in_specs=in_specs,
        out_specs=out_specs,
        out_shape=out_shapes,
        scratch_shapes=scratch,
    )(zf, W, w_neg2)


def _sc_gather(w_flat, gidx_flat, m):
    n_workers = 32
    per_w = m // n_workers
    chunk = 1024
    chunk = 512
    n_chunks = per_w // chunk
    mesh = plsc.VectorSubcoreMesh(core_axis_name="c", subcore_axis_name="s")
    out_t = jax.ShapeDtypeStruct((m, 2 * _SUB), jnp.float32)

    @functools.partial(
        pl.kernel, mesh=mesh,
        out_type=(out_t, out_t),
        scratch_types=[
            pltpu.VMEM((per_w,), jnp.int32),
            pltpu.VMEM((chunk, 2 * _SUB), jnp.float32),
            pltpu.SemaphoreType.DMA,
        ],
    )
    def sc_kernel(w_hbm, idx_hbm, zq_hbm, st_hbm, idx_v, rows_v, sem):
        wid = lax.axis_index("s") * 2 + lax.axis_index("c")
        base = wid * per_w
        pltpu.sync_copy(idx_hbm.at[pl.ds(base, per_w)], idx_v)

        @pl.loop(0, n_chunks)
        def _(k):
            pltpu.async_copy(
                w_hbm.at[idx_v.at[pl.ds(k * chunk, chunk)]],
                rows_v, sem).wait()
            dst = pl.ds(base + k * chunk, chunk)
            pltpu.sync_copy(rows_v, zq_hbm.at[dst])
            pltpu.sync_copy(rows_v, st_hbm.at[dst])

    return sc_kernel(w_flat, gidx_flat)


@jax.jit
def kernel(z_e, W):
    B, L, D = z_e.shape
    C, K, sub = W.shape
    n = B * L
    zf = z_e.reshape(n, D)
    w_neg2 = W * (-2.0)

    gidx, loss, perp = _tc_call(zf, W, w_neg2, n, D, C, K, sub)

    w_pad = jnp.pad(W.reshape(C * K, sub), ((0, 0), (0, sub)))
    zq_w, st_w = _sc_gather(w_pad, gidx.reshape(n * C), n * C)

    offs = (jnp.arange(C, dtype=jnp.int32) * K)[None, :]
    indices_all = (gidx - offs).reshape(B, L, C)
    z_q_all = zq_w[:, :sub].reshape(B, L, D)
    z_q_st = st_w[:, :sub].reshape(B, L, D)
    loss_s = loss[0, 0]
    return (indices_all, z_q_st, z_q_all, loss_s, loss_s, perp[0, 0])

# --- scband reference (transcript-rebuilt; emitter-appended) ---
"""Pipeline reference for scband-multi-codebook-quantizer-76347338654343 (READ-ONLY COPY).

The authoritative reference and input builder live on the scoring server;
editing this copy changes nothing except your own understanding.
"""

import jax, jax.numpy as jnp
import numpy as np

CODE_DIM = 256
NUM_CODEBOOKS = 4
CODEBOOK_SIZE = 1024
SUB_DIM = CODE_DIM // NUM_CODEBOOKS


def setup_inputs(seed: int = 0) -> dict:
    key = jax.random.key(seed)
    k1, k2 = jax.random.split(key)
    z_e = jax.random.normal(k1, (16, 1024, CODE_DIM), dtype=jnp.float32)
    # stacked codebook weights: [num_codebooks, codebook_size, sub_dim],
    # initialized uniform(-1/K, 1/K) like the torch module
    lim = 1.0 / float(CODEBOOK_SIZE)
    W = jax.random.uniform(k2, (NUM_CODEBOOKS, CODEBOOK_SIZE, SUB_DIM), dtype=jnp.float32,
                           minval=-lim, maxval=lim)
    return {"z_e": z_e, "W": W}


def reference(z_e, W):
    B, L, D = z_e.shape
    C, K, sub = W.shape
    z_parts = z_e.reshape(B, L, C, sub)
    indices_parts = []
    z_q_parts = []
    codebook_loss = jnp.asarray(0.0, dtype=z_e.dtype)
    commit_loss = jnp.asarray(0.0, dtype=z_e.dtype)
    perplexity_terms = []
    for c in range(C):
        z_sub = z_parts[:, :, c, :]
        flat = z_sub.reshape(-1, sub)
        w = W[c]
        dist = (jnp.sum(flat ** 2, axis=1, keepdims=True)
                - 2.0 * flat @ w.T
                + jnp.sum(w ** 2, axis=1)[None, :])
        idx = jnp.argmin(dist, axis=1).reshape(B, L)
        z_q = jnp.take(w, idx, axis=0)
        indices_parts.append(idx)
        z_q_parts.append(z_q)
        codebook_loss = codebook_loss + jnp.mean((z_q - jax.lax.stop_gradient(z_sub)) ** 2)
        commit_loss = commit_loss + jnp.mean((z_sub - jax.lax.stop_gradient(z_q)) ** 2)
        enc = jax.nn.one_hot(idx.reshape(-1), K, dtype=jnp.float32)
        avg_probs = jnp.mean(enc, axis=0)
        perplexity_terms.append(jnp.exp(-jnp.sum(avg_probs * jnp.log(jnp.clip(avg_probs, 1e-08)))))
    indices_all = jnp.stack(indices_parts, axis=-1)
    z_q_all = jnp.concatenate(z_q_parts, axis=-1)
    z_q_st = z_e + jax.lax.stop_gradient(z_q_all - z_e)
    perplexity = jnp.mean(jnp.stack(perplexity_terms))
    return (indices_all,
            z_q_st,
            z_q_all,
            codebook_loss / float(C),
            commit_loss / float(C),
            perplexity)

if __name__ == "__main__":
    import jax
    _d = setup_inputs()
    print(jax.jit(kernel)(*tuple(_d.values())))

</pallas_src>

<mosaic_0001>
#map = affine_map<(d0, d1) -> (0, 0)>
#map1 = affine_map<(d0, d1) -> (0)>
module attributes {stable_mosaic.version = 14 : i64} {
  func.func @sc_kernel(%arg0: i32, %arg1: i32, %arg2: memref<4096x128xf32, #tpu.memory_space<hbm>>, %arg3: memref<65536xi32, #tpu.memory_space<hbm>>, %arg4: memref<65536x128xf32, #tpu.memory_space<hbm>>, %arg5: memref<65536x128xf32, #tpu.memory_space<hbm>>, %arg6: memref<2048xi32, #tpu.memory_space<vmem>>, %arg7: memref<512x128xf32, #tpu.memory_space<vmem>>, %arg8: memref<!tpu.dma_semaphore, #tpu.memory_space<semaphore_mem>>) attributes {dimension_semantics = [#tpu.dimension_semantics<core_parallel>, #tpu.dimension_semantics<subcore_parallel>], iteration_bounds = array<i64: 2, 16>, scalar_prefetch = 0 : i64, scratch_operands = 3 : i64, tpu.core_type = #tpu.core_type<sc_vector_subcore>, window_params = [{transform_indices = #map}, {transform_indices = #map1}, {transform_indices = #map}, {transform_indices = #map}]} {
    %mul3A = arith.constant 2 : i32
    %mul3A_0 = arith.muli %arg1, %mul3A : i32
    %add3A = arith.addi %mul3A_0, %arg0 : i32
    %mul3A_1 = arith.constant 2048 : i32
    %mul3A_2 = arith.muli %add3A, %mul3A_1 : i32
    "tpu.region"() ({
      %run_scoped3A = tpu.sem_alloc : memref<!tpu.dma_semaphore, #tpu.memory_space<semaphore_mem>>
      %dma_start3A = tpu.memref_slice %arg3[%mul3A_2] : memref<65536xi32, #tpu.memory_space<hbm>> -> memref<2048xi32, #tpu.memory_space<hbm>>
      %dma_start3A_7 = tpu.memref_slice %arg3[%mul3A_2] : memref<65536xi32, #tpu.memory_space<hbm>> -> memref<2048xi32, #tpu.memory_space<hbm>>
      tpu.enqueue_dma source(%dma_start3A_7 : memref<2048xi32, #tpu.memory_space<hbm>>) target(%arg6 : memref<2048xi32, #tpu.memory_space<vmem>>) target_semaphore(%run_scoped3A : memref<!tpu.dma_semaphore, #tpu.memory_space<semaphore_mem>>)
      %dma_wait3A = tpu.memref_slice %arg3[%mul3A_2] : memref<65536xi32, #tpu.memory_space<hbm>> -> memref<2048xi32, #tpu.memory_space<hbm>>
      %dma_wait3A_8 = tpu.memref_slice %arg3[%mul3A_2] : memref<65536xi32, #tpu.memory_space<hbm>> -> memref<2048xi32, #tpu.memory_space<hbm>>
      tpu.wait_dma2 semaphore(%run_scoped3A : memref<!tpu.dma_semaphore, #tpu.memory_space<semaphore_mem>>) src(%dma_wait3A_8 : memref<2048xi32, #tpu.memory_space<hbm>>) dst(%arg6 : memref<2048xi32, #tpu.memory_space<vmem>>)
      tpu.yield
    }) : () -> ()
    %scan3A = arith.constant 0 : i32
    %scan3A_3 = arith.constant 4 : i32
    %scan3A_4 = arith.addi %scan3A, %scan3A_3 : i32
    %scan3A_5 = arith.constant 1 : i32
    scf.for %scan3A_7 = %scan3A to %scan3A_4 step %scan3A_5  : i32 {
      %mul3A_8 = arith.constant 1 : i32
      %mul3A_9 = arith.muli %scan3A_7, %mul3A_8 : i32
      %add3A_10 = arith.constant 0 : i32
      %add3A_11 = arith.addi %add3A_10, %mul3A_9 : i32
      %mul3A_12 = arith.constant 512 : i32
      %mul3A_13 = arith.muli %add3A_11, %mul3A_12 : i32
      %dma_start3A = tpu.memref_slice %arg6[%mul3A_13] : memref<2048xi32, #tpu.memory_space<vmem>> -> memref<512xi32, #tpu.memory_space<vmem>>
      %dma_start3A_14 = arith.constant 0 : i32
      %dma_start3A_15 = arith.constant 0 : i32
      %dma_start3A_16 = tpu.memref_slice %arg2[%dma_start3A_14, %dma_start3A_15] : memref<4096x128xf32, #tpu.memory_space<hbm>> -> memref<4096x128xf32, #tpu.memory_space<hbm>>
      tpu.enqueue_indirect_dma source(%dma_start3A_16 : memref<4096x128xf32, #tpu.memory_space<hbm>>) target(%arg7 : memref<512x128xf32, #tpu.memory_space<vmem>>) offsets(%dma_start3A : memref<512xi32, #tpu.memory_space<vmem>>) semaphore(%arg8 : memref<!tpu.dma_semaphore, #tpu.memory_space<semaphore_mem>>)
      %dma_wait3A = tpu.memref_slice %arg6[%mul3A_13] : memref<2048xi32, #tpu.memory_space<vmem>> -> memref<512xi32, #tpu.memory_space<vmem>>
      %dma_wait3A_17 = arith.constant 0 : i32
      %dma_wait3A_18 = arith.constant 0 : i32
      %dma_wait3A_19 = tpu.memref_slice %arg2[%dma_wait3A_17, %dma_wait3A_18] : memref<4096x128xf32, #tpu.memory_space<hbm>> -> memref<4096x128xf32, #tpu.memory_space<hbm>>
      tpu.wait_indirect_dma semaphore(%arg8 : memref<!tpu.dma_semaphore, #tpu.memory_space<semaphore_mem>>) src(%dma_wait3A_19 : memref<4096x128xf32, #tpu.memory_space<hbm>>) dst(%arg7 : memref<512x128xf32, #tpu.memory_space<vmem>>)
      %mul3A_20 = arith.constant 512 : i32
      %mul3A_21 = arith.muli %add3A_11, %mul3A_20 : i32
      %add3A_22 = arith.addi %mul3A_2, %mul3A_21 : i32
      "tpu.region"() ({
        %run_scoped3A = tpu.sem_alloc : memref<!tpu.dma_semaphore, #tpu.memory_space<semaphore_mem>>
        %dma_start3A_23 = arith.constant 0 : i32
        %dma_start3A_24 = tpu.memref_slice %arg4[%add3A_22, %dma_start3A_23] : memref<65536x128xf32, #tpu.memory_space<hbm>> -> memref<512x128xf32, #tpu.memory_space<hbm>>
        %dma_start3A_25 = arith.constant 0 : i32
        %dma_start3A_26 = tpu.memref_slice %arg4[%add3A_22, %dma_start3A_25] : memref<65536x128xf32, #tpu.memory_space<hbm>> -> memref<512x128xf32, #tpu.memory_space<hbm>>
        tpu.enqueue_dma source(%arg7 : memref<512x128xf32, #tpu.memory_space<vmem>>) target(%dma_start3A_26 : memref<512x128xf32, #tpu.memory_space<hbm>>) target_semaphore(%run_scoped3A : memref<!tpu.dma_semaphore, #tpu.memory_space<semaphore_mem>>)
        %dma_wait3A_27 = arith.constant 0 : i32
        %dma_wait3A_28 = tpu.memref_slice %arg4[%add3A_22, %dma_wait3A_27] : memref<65536x128xf32, #tpu.memory_space<hbm>> -> memref<512x128xf32, #tpu.memory_space<hbm>>
        %dma_wait3A_29 = arith.constant 0 : i32
        %dma_wait3A_30 = tpu.memref_slice %arg4[%add3A_22, %dma_wait3A_29] : memref<65536x128xf32, #tpu.memory_space<hbm>> -> memref<512x128xf32, #tpu.memory_space<hbm>>
        tpu.wait_dma2 semaphore(%run_scoped3A : memref<!tpu.dma_semaphore, #tpu.memory_space<semaphore_mem>>) src(%arg7 : memref<512x128xf32, #tpu.memory_space<vmem>>) dst(%dma_wait3A_30 : memref<512x128xf32, #tpu.memory_space<hbm>>)
        tpu.yield
      }) : () -> ()
      "tpu.region"() ({
        %run_scoped3A = tpu.sem_alloc : memref<!tpu.dma_semaphore, #tpu.memory_space<semaphore_mem>>
        %dma_start3A_23 = arith.constant 0 : i32
        %dma_start3A_24 = tpu.memref_slice %arg5[%add3A_22, %dma_start3A_23] : memref<65536x128xf32, #tpu.memory_space<hbm>> -> memref<512x128xf32, #tpu.memory_space<hbm>>
        %dma_start3A_25 = arith.constant 0 : i32
        %dma_start3A_26 = tpu.memref_slice %arg5[%add3A_22, %dma_start3A_25] : memref<65536x128xf32, #tpu.memory_space<hbm>> -> memref<512x128xf32, #tpu.memory_space<hbm>>
        tpu.enqueue_dma source(%arg7 : memref<512x128xf32, #tpu.memory_space<vmem>>) target(%dma_start3A_26 : memref<512x128xf32, #tpu.memory_space<hbm>>) target_semaphore(%run_scoped3A : memref<!tpu.dma_semaphore, #tpu.memory_space<semaphore_mem>>)
        %dma_wait3A_27 = arith.constant 0 : i32
        %dma_wait3A_28 = tpu.memref_slice %arg5[%add3A_22, %dma_wait3A_27] : memref<65536x128xf32, #tpu.memory_space<hbm>> -> memref<512x128xf32, #tpu.memory_space<hbm>>
        %dma_wait3A_29 = arith.constant 0 : i32
        %dma_wait3A_30 = tpu.memref_slice %arg5[%add3A_22, %dma_wait3A_29] : memref<65536x128xf32, #tpu.memory_space<hbm>> -> memref<512x128xf32, #tpu.memory_space<hbm>>
        tpu.wait_dma2 semaphore(%run_scoped3A : memref<!tpu.dma_semaphore, #tpu.memory_space<semaphore_mem>>) src(%arg7 : memref<512x128xf32, #tpu.memory_space<vmem>>) dst(%dma_wait3A_30 : memref<512x128xf32, #tpu.memory_space<hbm>>)
        tpu.yield
      }) : () -> ()
    }
    %scan3A_6 = arith.constant 4 : i32
    return
  }
}

module attributes {stable_mosaic.version = 14 : i64} {
  func.func @_vq_kernel(%arg0: i32, %arg1: memref<2048x256xf32, #tpu.memory_space<vmem>>, %arg2: memref<4x1024x64xf32, #tpu.memory_space<vmem>>, %arg3: memref<4x1024x64xf32, #tpu.memory_space<vmem>>, %arg4: memref<2048x4xi32, #tpu.memory_space<vmem>>, %arg5: memref<1x1xf32, #tpu.memory_space<vmem>>, %arg6: memref<1x1xf32, #tpu.memory_space<vmem>>, %arg7: memref<1xf32, #tpu.memory_space<smem>>, %arg8: memref<1x1024xf32, #tpu.memory_space<vmem>>, %arg9: memref<1x1024xf32, #tpu.memory_space<vmem>>, %arg10: memref<1x1024xf32, #tpu.memory_space<vmem>>, %arg11: memref<1x1024xf32, #tpu.memory_space<vmem>>) attributes {dimension_semantics = [#tpu.dimension_semantics<arbitrary>], iteration_bounds = array<i64: 8>, scalar_prefetch = 0 : i64, scratch_operands = 5 : i64, tpu.core_type = #tpu.core_type<tc>, window_params = [{transform_indices = @transform_0, window_bounds = array<i64: 2048, 256>}, {pipeline_mode = #tpu.pipeline_mode<synchronous>, transform_indices = @transform_1, window_bounds = array<i64: 4, 1024, 64>}, {pipeline_mode = #tpu.pipeline_mode<synchronous>, transform_indices = @transform_2, window_bounds = array<i64: 4, 1024, 64>}, {transform_indices = @transform_3, window_bounds = array<i64: 2048, 4>}, {pipeline_mode = #tpu.pipeline_mode<synchronous>, transform_indices = @transform_4, window_bounds = array<i64: 1, 1>}, {pipeline_mode = #tpu.pipeline_mode<synchronous>, transform_indices = @transform_5, window_bounds = array<i64: 1, 1>}]} {
    %eq3A = arith.constant 0 : i32
    %eq3A_0 = arith.cmpi eq, %arg0, %eq3A : i32
    %convert_element_type3A = arith.extui %eq3A_0 : i1 to i32
    %cond3A = arith.constant 0 : i32
    %cond3A_1 = arith.cmpi ne, %convert_element_type3A, %cond3A : i32
    scf.if %cond3A_1 {
      %swap3A_253 = arith.constant 0.000000e+00 : f32
      %swap3A_254 = arith.constant 0 : index
      %swap3A_255 = memref.load %arg7[%swap3A_254] : memref<1xf32, #tpu.memory_space<smem>>
      memref.store %swap3A_253, %arg7[%swap3A_254] : memref<1xf32, #tpu.memory_space<smem>>
      %broadcast_in_dim3A_256 = arith.constant 0.000000e+00 : f32
      %broadcast_in_dim3A_257 = vector.broadcast %broadcast_in_dim3A_256 : f32 to vector<1x1024xf32>
      %swap3A_258 = arith.constant 0 : index
      %swap3A_259 = arith.constant 0 : index
      %swap3A_260 = vector.load %arg8[%swap3A_258, %swap3A_259] : memref<1x1024xf32, #tpu.memory_space<vmem>>, vector<1x1024xf32>
      tpu.vector_store %arg8[%swap3A_258, %swap3A_259], %broadcast_in_dim3A_257 {strides = array<i32>} : memref<1x1024xf32, #tpu.memory_space<vmem>>, vector<1x1024xf32>,
      %broadcast_in_dim3A_261 = arith.constant 0.000000e+00 : f32
      %broadcast_in_dim3A_262 = vector.broadcast %broadcast_in_dim3A_261 : f32 to vector<1x1024xf32>
      %swap3A_263 = arith.constant 0 : index
      %swap3A_264 = arith.constant 0 : index
      %swap3A_265 = vector.load %arg9[%swap3A_263, %swap3A_264] : memref<1x1024xf32, #tpu.memory_space<vmem>>, vector<1x1024xf32>
      tpu.vector_store %arg9[%swap3A_263, %swap3A_264], %broadcast_in_dim3A_262 {strides = array<i32>} : memref<1x1024xf32, #tpu.memory_space<vmem>>, vector<1x1024xf32>,
      %broadcast_in_dim3A_266 = arith.constant 0.000000e+00 : f32
      %broadcast_in_dim3A_267 = vector.broadcast %broadcast_in_dim3A_266 : f32 to vector<1x1024xf32>
      %swap3A_268 = arith.constant 0 : index
      %swap3A_269 = arith.constant 0 : index
      %swap3A_270 = vector.load %arg10[%swap3A_268, %swap3A_269] : memref<1x1024xf32, #tpu.memory_space<vmem>>, vector<1x1024xf32>
      tpu.vector_store %arg10[%swap3A_268, %swap3A_269], %broadcast_in_dim3A_267 {strides = array<i32>} : memref<1x1024xf32, #tpu.memory_space<vmem>>, vector<1x1024xf32>,
      %broadcast_in_dim3A_271 = arith.constant 0.000000e+00 : f32
      %broadcast_in_dim3A_272 = vector.broadcast %broadcast_in_dim3A_271 : f32 to vector<1x1024xf32>
      %swap3A_273 = arith.constant 0 : index
      %swap3A_274 = arith.constant 0 : index
      %swap3A_275 = vector.load %arg11[%swap3A_273, %swap3A_274] : memref<1x1024xf32, #tpu.memory_space<vmem>>, vector<1x1024xf32>
      tpu.vector_store %arg11[%swap3A_273, %swap3A_274], %broadcast_in_dim3A_272 {strides = array<i32>} : memref<1x1024xf32, #tpu.memory_space<vmem>>, vector<1x1024xf32>,
    } else {
    }
    %get3A = arith.constant 0 : index
    %get3A_2 = arith.constant 0 : index
    %get3A_3 = vector.load %arg1[%get3A, %get3A_2] : memref<2048x256xf32, #tpu.memory_space<vmem>>, vector<2048x256xf32>
    %get3A_4 = arith.constant 0 : index
    %get3A_5 = memref.load %arg7[%get3A_4] : memref<1xf32, #tpu.memory_space<smem>>
    %iota3A = tpu.iota {dimensions = array<i32: 1>} : vector<2048x1024xi32>
    %convert_element_type3A_6 = arith.sitofp %iota3A : vector<2048x1024xi32> to vector<2048x1024xf32>
    %broadcast_in_dim3A = arith.constant 1.000000e+00 : bf16
    %broadcast_in_dim3A_7 = vector.broadcast %broadcast_in_dim3A : bf16 to vector<1x2048xbf16>
    %slice3A = vector.extract_strided_slice %get3A_3 {offsets = [0, 0], sizes = [2048, 64], strides = [1, 1]} : vector<2048x256xf32> to vector<2048x64xf32>
    %get3A_8 = arith.constant 0 : index
    %get3A_9 = arith.constant 0 : index
    %get3A_10 = arith.constant 0 : index
    %get3A_11 = vector.load %arg2[%get3A_8, %get3A_9, %get3A_10] : memref<4x1024x64xf32, #tpu.memory_space<vmem>>, vector<1x1024x64xf32>
    %get3A_12 = vector.shape_cast %get3A_11 : vector<1x1024x64xf32> to vector<1024x64xf32>
    %mul3A = arith.mulf %slice3A, %slice3A : vector<2048x64xf32>
    %reduce_sum3A = arith.constant dense<0.000000e+00> : vector<2048xf32>
    %reduce_sum3A_13 = vector.multi_reduction <add>, %mul3A, %reduce_sum3A [1] : vector<2048x64xf32> to vector<2048xf32>
    %broadcast_in_dim3A_14 = vector.shape_cast %reduce_sum3A_13 : vector<2048xf32> to vector<2048x1xf32>
    %mul3A_15 = arith.mulf %get3A_12, %get3A_12 : vector<1024x64xf32>
    %reduce_sum3A_16 = arith.constant dense<0.000000e+00> : vector<1024xf32>
    %reduce_sum3A_17 = vector.multi_reduction <add>, %mul3A_15, %reduce_sum3A_16 [1] : vector<1024x64xf32> to vector<1024xf32>
    %broadcast_in_dim3A_18 = vector.shape_cast %reduce_sum3A_17 : vector<1024xf32> to vector<1x1024xf32>
    %get3A_19 = arith.constant 0 : index
    %get3A_20 = arith.constant 0 : index
    %get3A_21 = arith.constant 0 : index
    %get3A_22 = vector.load %arg3[%get3A_19, %get3A_20, %get3A_21] : memref<4x1024x64xf32, #tpu.memory_space<vmem>>, vector<1x1024x64xf32>
    %get3A_23 = vector.shape_cast %get3A_22 : vector<1x1024x64xf32> to vector<1024x64xf32>
    %dot_general3A = arith.constant dense<0.000000e+00> : vector<2048x1024xf32>
    %dot_general3A_24 = tpu.matmul %slice3A, %get3A_23, %dot_general3A {dimension_numbers = #tpu.dot_dimension_numbers<[1], [1], [0], [0], [0, 0, 1, 0], [], []>, transpose_lhs_hint = false} : vector<2048x64xf32>, vector<1024x64xf32>, vector<2048x1024xf32> -> vector<2048x1024xf32>
    %add3A = vector.broadcast %broadcast_in_dim3A_14 : vector<2048x1xf32> to vector<2048x1024xf32>
    %add3A_25 = arith.addf %add3A, %dot_general3A_24 : vector<2048x1024xf32>
    %add3A_26 = vector.broadcast %broadcast_in_dim3A_18 : vector<1x1024xf32> to vector<2048x1024xf32>
    %add3A_27 = arith.addf %add3A_25, %add3A_26 : vector<2048x1024xf32>
    %reduce_min3A = arith.constant dense<0x7F800000> : vector<2048xf32>
    %reduce_min3A_28 = vector.multi_reduction <minimumf>, %add3A_27, %reduce_min3A [1] : vector<2048x1024xf32> to vector<2048xf32>
    %broadcast_in_dim3A_29 = vector.shape_cast %reduce_min3A_28 : vector<2048xf32> to vector<2048x1xf32>
    %eq3A_30 = vector.broadcast %broadcast_in_dim3A_29 : vector<2048x1xf32> to vector<2048x1024xf32>
    %eq3A_31 = arith.cmpf oeq, %add3A_27, %eq3A_30 : vector<2048x1024xf32>
    %jit3A = arith.constant 2.048000e+03 : f32
    %broadcast_in_dim3A_32 = vector.broadcast %jit3A : f32 to vector<2048x1024xf32>
    %select_n3A = arith.select %eq3A_31, %convert_element_type3A_6, %broadcast_in_dim3A_32 : vector<2048x1024xi1>, vector<2048x1024xf32>
    %reduce_min3A_33 = arith.constant dense<0x7F800000> : vector<2048xf32>
    %reduce_min3A_34 = vector.multi_reduction <minimumf>, %select_n3A, %reduce_min3A_33 [1] : vector<2048x1024xf32> to vector<2048xf32>
    %convert_element_type3A_35 = arith.fptosi %reduce_min3A_34 : vector<2048xf32> to vector<2048xi32>
    %broadcast_in_dim3A_36 = vector.shape_cast %convert_element_type3A_35 : vector<2048xi32> to vector<2048x1xi32>
    %eq3A_37 = vector.broadcast %broadcast_in_dim3A_36 : vector<2048x1xi32> to vector<2048x1024xi32>
    %eq3A_38 = arith.cmpi eq, %iota3A, %eq3A_37 : vector<2048x1024xi32>
    %convert_element_type3A_39 = arith.extui %eq3A_38 : vector<2048x1024xi1> to vector<2048x1024xi32>
    %convert_element_type3A_40 = arith.sitofp %convert_element_type3A_39 : vector<2048x1024xi32> to vector<2048x1024xf32>
    %convert_element_type3A_41 = arith.truncf %convert_element_type3A_40 : vector<2048x1024xf32> to vector<2048x1024xbf16>
    %get3A_42 = arith.constant 0 : index
    %get3A_43 = arith.constant 0 : index
    %get3A_44 = vector.load %arg8[%get3A_42, %get3A_43] : memref<1x1024xf32, #tpu.memory_space<vmem>>, vector<1x1024xf32>
    %dot_general3A_45 = arith.constant dense<0.000000e+00> : vector<1x1024xf32>
    %dot_general3A_46 = tpu.matmul %broadcast_in_dim3A_7, %convert_element_type3A_41, %dot_general3A_45 {dimension_numbers = #tpu.dot_dimension_numbers<[1], [0], [0], [1], [0, 0, 1, 1], [], []>, transpose_lhs_hint = false} : vector<1x2048xbf16>, vector<2048x1024xbf16>, vector<1x1024xf32> -> vector<1x1024xf32>
    %add3A_47 = arith.addf %get3A_44, %dot_general3A_46 : vector<1x1024xf32>
    %swap3A = arith.constant 0 : index
    %swap3A_48 = arith.constant 0 : index
    %swap3A_49 = vector.load %arg8[%swap3A, %swap3A_48] : memref<1x1024xf32, #tpu.memory_space<vmem>>, vector<1x1024xf32>
    tpu.vector_store %arg8[%swap3A, %swap3A_48], %add3A_47 {strides = array<i32>} : memref<1x1024xf32, #tpu.memory_space<vmem>>, vector<1x1024xf32>,
    %reduce_sum3A_50 = vector.shape_cast %broadcast_in_dim3A_29 : vector<2048x1xf32> to vector<1x2048x1xf32>
    %reduce_sum3A_51 = arith.constant dense<0.000000e+00> : vector<1xf32>
    %reduce_sum3A_52 = vector.multi_reduction <add>, %reduce_sum3A_50, %reduce_sum3A_51 [1, 2] : vector<1x2048x1xf32> to vector<1xf32>
    %reduce_sum3A_53 = vector.shape_cast %reduce_sum3A_52 : vector<1xf32> to vector<1x1x1xf32>
    %reduce_sum3A_54 = vector.extract %reduce_sum3A_53[0, 0, 0] : f32 from vector<1x1x1xf32>
    %add3A_55 = arith.addf %get3A_5, %reduce_sum3A_54 : f32
    %add3A_56 = arith.constant 0 : i32
    %add3A_57 = vector.broadcast %add3A_56 : i32 to vector<2048xi32>
    %add3A_58 = arith.addi %convert_element_type3A_35, %add3A_57 : vector<2048xi32>
    %slice3A_59 = vector.extract_strided_slice %get3A_3 {offsets = [0, 64], sizes = [2048, 64], strides = [1, 1]} : vector<2048x256xf32> to vector<2048x64xf32>
    %get3A_60 = arith.constant 1 : index
    %get3A_61 = arith.constant 0 : index
    %get3A_62 = arith.constant 0 : index
    %get3A_63 = vector.load %arg2[%get3A_60, %get3A_61, %get3A_62] : memref<4x1024x64xf32, #tpu.memory_space<vmem>>, vector<1x1024x64xf32>
    %get3A_64 = vector.shape_cast %get3A_63 : vector<1x1024x64xf32> to vector<1024x64xf32>
    %mul3A_65 = arith.mulf %slice3A_59, %slice3A_59 : vector<2048x64xf32>
    %reduce_sum3A_66 = arith.constant dense<0.000000e+00> : vector<2048xf32>
    %reduce_sum3A_67 = vector.multi_reduction <add>, %mul3A_65, %reduce_sum3A_66 [1] : vector<2048x64xf32> to vector<2048xf32>
    %broadcast_in_dim3A_68 = vector.shape_cast %reduce_sum3A_67 : vector<2048xf32> to vector<2048x1xf32>
    %mul3A_69 = arith.mulf %get3A_64, %get3A_64 : vector<1024x64xf32>
    %reduce_sum3A_70 = arith.constant dense<0.000000e+00> : vector<1024xf32>
    %reduce_sum3A_71 = vector.multi_reduction <add>, %mul3A_69, %reduce_sum3A_70 [1] : vector<1024x64xf32> to vector<1024xf32>
    %broadcast_in_dim3A_72 = vector.shape_cast %reduce_sum3A_71 : vector<1024xf32> to vector<1x1024xf32>
    %get3A_73 = arith.constant 1 : index
    %get3A_74 = arith.constant 0 : index
    %get3A_75 = arith.constant 0 : index
    %get3A_76 = vector.load %arg3[%get3A_73, %get3A_74, %get3A_75] : memref<4x1024x64xf32, #tpu.memory_space<vmem>>, vector<1x1024x64xf32>
    %get3A_77 = vector.shape_cast %get3A_76 : vector<1x1024x64xf32> to vector<1024x64xf32>
    %dot_general3A_78 = arith.constant dense<0.000000e+00> : vector<2048x1024xf32>
    %dot_general3A_79 = tpu.matmul %slice3A_59, %get3A_77, %dot_general3A_78 {dimension_numbers = #tpu.dot_dimension_numbers<[1], [1], [0], [0], [0, 0, 1, 0], [], []>, transpose_lhs_hint = false} : vector<2048x64xf32>, vector<1024x64xf32>, vector<2048x1024xf32> -> vector<2048x1024xf32>
    %add3A_80 = vector.broadcast %broadcast_in_dim3A_68 : vector<2048x1xf32> to vector<2048x1024xf32>
    %add3A_81 = arith.addf %add3A_80, %dot_general3A_79 : vector<2048x1024xf32>
    %add3A_82 = vector.broadcast %broadcast_in_dim3A_72 : vector<1x1024xf32> to vector<2048x1024xf32>
    %add3A_83 = arith.addf %add3A_81, %add3A_82 : vector<2048x1024xf32>
    %reduce_min3A_84 = arith.constant dense<0x7F800000> : vector<2048xf32>
    %reduce_min3A_85 = vector.multi_reduction <minimumf>, %add3A_83, %reduce_min3A_84 [1] : vector<2048x1024xf32> to vector<2048xf32>
    %broadcast_in_dim3A_86 = vector.shape_cast %reduce_min3A_85 : vector<2048xf32> to vector<2048x1xf32>
    %eq3A_87 = vector.broadcast %broadcast_in_dim3A_86 : vector<2048x1xf32> to vector<2048x1024xf32>
    %eq3A_88 = arith.cmpf oeq, %add3A_83, %eq3A_87 : vector<2048x1024xf32>
    %jit3A_89 = arith.constant 2.048000e+03 : f32
    %broadcast_in_dim3A_90 = vector.broadcast %jit3A_89 : f32 to vector<2048x1024xf32>
    %select_n3A_91 = arith.select %eq3A_88, %convert_element_type3A_6, %broadcast_in_dim3A_90 : vector<2048x1024xi1>, vector<2048x1024xf32>
    %reduce_min3A_92 = arith.constant dense<0x7F800000> : vector<2048xf32>
    %reduce_min3A_93 = vector.multi_reduction <minimumf>, %select_n3A_91, %reduce_min3A_92 [1] : vector<2048x1024xf32> to vector<2048xf32>
    %convert_element_type3A_94 = arith.fptosi %reduce_min3A_93 : vector<2048xf32> to vector<2048xi32>
    %broadcast_in_dim3A_95 = vector.shape_cast %convert_element_type3A_94 : vector<2048xi32> to vector<2048x1xi32>
    %eq3A_96 = vector.broadcast %broadcast_in_dim3A_95 : vector<2048x1xi32> to vector<2048x1024xi32>
    %eq3A_97 = arith.cmpi eq, %iota3A, %eq3A_96 : vector<2048x1024xi32>
    %convert_element_type3A_98 = arith.extui %eq3A_97 : vector<2048x1024xi1> to vector<2048x1024xi32>
    %convert_element_type3A_99 = arith.sitofp %convert_element_type3A_98 : vector<2048x1024xi32> to vector<2048x1024xf32>
    %convert_element_type3A_100 = arith.truncf %convert_element_type3A_99 : vector<2048x1024xf32> to vector<2048x1024xbf16>
    %get3A_101 = arith.constant 0 : index
    %get3A_102 = arith.constant 0 : index
    %get3A_103 = vector.load %arg9[%get3A_101, %get3A_102] : memref<1x1024xf32, #tpu.memory_space<vmem>>, vector<1x1024xf32>
    %dot_general3A_104 = arith.constant dense<0.000000e+00> : vector<1x1024xf32>
    %dot_general3A_105 = tpu.matmul %broadcast_in_dim3A_7, %convert_element_type3A_100, %dot_general3A_104 {dimension_numbers = #tpu.dot_dimension_numbers<[1], [0], [0], [1], [0, 0, 1, 1], [], []>, transpose_lhs_hint = false} : vector<1x2048xbf16>, vector<2048x1024xbf16>, vector<1x1024xf32> -> vector<1x1024xf32>
    %add3A_106 = arith.addf %get3A_103, %dot_general3A_105 : vector<1x1024xf32>
    %swap3A_107 = arith.constant 0 : index
    %swap3A_108 = arith.constant 0 : index
    %swap3A_109 = vector.load %arg9[%swap3A_107, %swap3A_108] : memref<1x1024xf32, #tpu.memory_space<vmem>>, vector<1x1024xf32>
    tpu.vector_store %arg9[%swap3A_107, %swap3A_108], %add3A_106 {strides = array<i32>} : memref<1x1024xf32, #tpu.memory_space<vmem>>, vector<1x1024xf32>,
    %reduce_sum3A_110 = vector.shape_cast %broadcast_in_dim3A_86 : vector<2048x1xf32> to vector<1x2048x1xf32>
    %reduce_sum3A_111 = arith.constant dense<0.000000e+00> : vector<1xf32>
    %reduce_sum3A_112 = vector.multi_reduction <add>, %reduce_sum3A_110, %reduce_sum3A_111 [1, 2] : vector<1x2048x1xf32> to vector<1xf32>
    %reduce_sum3A_113 = vector.shape_cast %reduce_sum3A_112 : vector<1xf32> to vector<1x1x1xf32>
    %reduce_sum3A_114 = vector.extract %reduce_sum3A_113[0, 0, 0] : f32 from vector<1x1x1xf32>
    %add3A_115 = arith.addf %add3A_55, %reduce_sum3A_114 : f32
    %add3A_116 = arith.constant 1024 : i32
    %add3A_117 = vector.broadcast %add3A_116 : i32 to vector<2048xi32>
    %add3A_118 = arith.addi %convert_element_type3A_94, %add3A_117 : vector<2048xi32>
    %slice3A_119 = vector.extract_strided_slice %get3A_3 {offsets = [0, 128], sizes = [2048, 64], strides = [1, 1]} : vector<2048x256xf32> to vector<2048x64xf32>
    %get3A_120 = arith.constant 2 : index
    %get3A_121 = arith.constant 0 : index
    %get3A_122 = arith.constant 0 : index
    %get3A_123 = vector.load %arg2[%get3A_120, %get3A_121, %get3A_122] : memref<4x1024x64xf32, #tpu.memory_space<vmem>>, vector<1x1024x64xf32>
    %get3A_124 = vector.shape_cast %get3A_123 : vector<1x1024x64xf32> to vector<1024x64xf32>
    %mul3A_125 = arith.mulf %slice3A_119, %slice3A_119 : vector<2048x64xf32>
    %reduce_sum3A_126 = arith.constant dense<0.000000e+00> : vector<2048xf32>
    %reduce_sum3A_127 = vector.multi_reduction <add>, %mul3A_125, %reduce_sum3A_126 [1] : vector<2048x64xf32> to vector<2048xf32>
    %broadcast_in_dim3A_128 = vector.shape_cast %reduce_sum3A_127 : vector<2048xf32> to vector<2048x1xf32>
    %mul3A_129 = arith.mulf %get3A_124, %get3A_124 : vector<1024x64xf32>
    %reduce_sum3A_130 = arith.constant dense<0.000000e+00> : vector<1024xf32>
    %reduce_sum3A_131 = vector.multi_reduction <add>, %mul3A_129, %reduce_sum3A_130 [1] : vector<1024x64xf32> to vector<1024xf32>
    %broadcast_in_dim3A_132 = vector.shape_cast %reduce_sum3A_131 : vector<1024xf32> to vector<1x1024xf32>
    %get3A_133 = arith.constant 2 : index
    %get3A_134 = arith.constant 0 : index
    %get3A_135 = arith.constant 0 : index
    %get3A_136 = vector.load %arg3[%get3A_133, %get3A_134, %get3A_135] : memref<4x1024x64xf32, #tpu.memory_space<vmem>>, vector<1x1024x64xf32>
    %get3A_137 = vector.shape_cast %get3A_136 : vector<1x1024x64xf32> to vector<1024x64xf32>
    %dot_general3A_138 = arith.constant dense<0.000000e+00> : vector<2048x1024xf32>
    %dot_general3A_139 = tpu.matmul %slice3A_119, %get3A_137, %dot_general3A_138 {dimension_numbers = #tpu.dot_dimension_numbers<[1], [1], [0], [0], [0, 0, 1, 0], [], []>, transpose_lhs_hint = false} : vector<2048x64xf32>, vector<1024x64xf32>, vector<2048x1024xf32> -> vector<2048x1024xf32>
    %add3A_140 = vector.broadcast %broadcast_in_dim3A_128 : vector<2048x1xf32> to vector<2048x1024xf32>
    %add3A_141 = arith.addf %add3A_140, %dot_general3A_139 : vector<2048x1024xf32>
    %add3A_142 = vector.broadcast %broadcast_in_dim3A_132 : vector<1x1024xf32> to vector<2048x1024xf32>
    %add3A_143 = arith.addf %add3A_141, %add3A_142 : vector<2048x1024xf32>
    %reduce_min3A_144 = arith.constant dense<0x7F800000> : vector<2048xf32>
    %reduce_min3A_145 = vector.multi_reduction <minimumf>, %add3A_143, %reduce_min3A_144 [1] : vector<2048x1024xf32> to vector<2048xf32>
    %broadcast_in_dim3A_146 = vector.shape_cast %reduce_min3A_145 : vector<2048xf32> to vector<2048x1xf32>
    %eq3A_147 = vector.broadcast %broadcast_in_dim3A_146 : vector<2048x1xf32> to vector<2048x1024xf32>
    %eq3A_148 = arith.cmpf oeq, %add3A_143, %eq3A_147 : vector<2048x1024xf32>
    %jit3A_149 = arith.constant 2.048000e+03 : f32
    %broadcast_in_dim3A_150 = vector.broadcast %jit3A_149 : f32 to vector<2048x1024xf32>
    %select_n3A_151 = arith.select %eq3A_148, %convert_element_type3A_6, %broadcast_in_dim3A_150 : vector<2048x1024xi1>, vector<2048x1024xf32>
    %reduce_min3A_152 = arith.constant dense<0x7F800000> : vector<2048xf32>
    %reduce_min3A_153 = vector.multi_reduction <minimumf>, %select_n3A_151, %reduce_min3A_152 [1] : vector<2048x1024xf32> to vector<2048xf32>
    %convert_element_type3A_154 = arith.fptosi %reduce_min3A_153 : vector<2048xf32> to vector<2048xi32>
    %broadcast_in_dim3A_155 = vector.shape_cast %convert_element_type3A_154 : vector<2048xi32> to vector<2048x1xi32>
    %eq3A_156 = vector.broadcast %broadcast_in_dim3A_155 : vector<2048x1xi32> to vector<2048x1024xi32>
    %eq3A_157 = arith.cmpi eq, %iota3A, %eq3A_156 : vector<2048x1024xi32>
    %convert_element_type3A_158 = arith.extui %eq3A_157 : vector<2048x1024xi1> to vector<2048x1024xi32>
    %convert_element_type3A_159 = arith.sitofp %convert_element_type3A_158 : vector<2048x1024xi32> to vector<2048x1024xf32>
    %convert_element_type3A_160 = arith.truncf %convert_element_type3A_159 : vector<2048x1024xf32> to vector<2048x1024xbf16>
    %get3A_161 = arith.constant 0 : index
    %get3A_162 = arith.constant 0 : index
    %get3A_163 = vector.load %arg10[%get3A_161, %get3A_162] : memref<1x1024xf32, #tpu.memory_space<vmem>>, vector<1x1024xf32>
    %dot_general3A_164 = arith.constant dense<0.000000e+00> : vector<1x1024xf32>
    %dot_general3A_165 = tpu.matmul %broadcast_in_dim3A_7, %convert_element_type3A_160, %dot_general3A_164 {dimension_numbers = #tpu.dot_dimension_numbers<[1], [0], [0], [1], [0, 0, 1, 1], [], []>, transpose_lhs_hint = false} : vector<1x2048xbf16>, vector<2048x1024xbf16>, vector<1x1024xf32> -> vector<1x1024xf32>
    %add3A_166 = arith.addf %get3A_163, %dot_general3A_165 : vector<1x1024xf32>
    %swap3A_167 = arith.constant 0 : index
    %swap3A_168 = arith.constant 0 : index
    %swap3A_169 = vector.load %arg10[%swap3A_167, %swap3A_168] : memref<1x1024xf32, #tpu.memory_space<vmem>>, vector<1x1024xf32>
    tpu.vector_store %arg10[%swap3A_167, %swap3A_168], %add3A_166 {strides = array<i32>} : memref<1x1024xf32, #tpu.memory_space<vmem>>, vector<1x1024xf32>,
    %reduce_sum3A_170 = vector.shape_cast %broadcast_in_dim3A_146 : vector<2048x1xf32> to vector<1x2048x1xf32>
    %reduce_sum3A_171 = arith.constant dense<0.000000e+00> : vector<1xf32>
    %reduce_sum3A_172 = vector.multi_reduction <add>, %reduce_sum3A_170, %reduce_sum3A_171 [1, 2] : vector<1x2048x1xf32> to vector<1xf32>
    %reduce_sum3A_173 = vector.shape_cast %reduce_sum3A_172 : vector<1xf32> to vector<1x1x1xf32>
    %reduce_sum3A_174 = vector.extract %reduce_sum3A_173[0, 0, 0] : f32 from vector<1x1x1xf32>
    %add3A_175 = arith.addf %add3A_115, %reduce_sum3A_174 : f32
    %add3A_176 = arith.constant 2048 : i32
    %add3A_177 = vector.broadcast %add3A_176 : i32 to vector<2048xi32>
    %add3A_178 = arith.addi %convert_element_type3A_154, %add3A_177 : vector<2048xi32>
    %slice3A_179 = vector.extract_strided_slice %get3A_3 {offsets = [0, 192], sizes = [2048, 64], strides = [1, 1]} : vector<2048x256xf32> to vector<2048x64xf32>
    %get3A_180 = arith.constant 3 : index
    %get3A_181 = arith.constant 0 : index
    %get3A_182 = arith.constant 0 : index
    %get3A_183 = vector.load %arg2[%get3A_180, %get3A_181, %get3A_182] : memref<4x1024x64xf32, #tpu.memory_space<vmem>>, vector<1x1024x64xf32>
    %get3A_184 = vector.shape_cast %get3A_183 : vector<1x1024x64xf32> to vector<1024x64xf32>
    %mul3A_185 = arith.mulf %slice3A_179, %slice3A_179 : vector<2048x64xf32>
    %reduce_sum3A_186 = arith.constant dense<0.000000e+00> : vector<2048xf32>
    %reduce_sum3A_187 = vector.multi_reduction <add>, %mul3A_185, %reduce_sum3A_186 [1] : vector<2048x64xf32> to vector<2048xf32>
    %broadcast_in_dim3A_188 = vector.shape_cast %reduce_sum3A_187 : vector<2048xf32> to vector<2048x1xf32>
    %mul3A_189 = arith.mulf %get3A_184, %get3A_184 : vector<1024x64xf32>
    %reduce_sum3A_190 = arith.constant dense<0.000000e+00> : vector<1024xf32>
    %reduce_sum3A_191 = vector.multi_reduction <add>, %mul3A_189, %reduce_sum3A_190 [1] : vector<1024x64xf32> to vector<1024xf32>
    %broadcast_in_dim3A_192 = vector.shape_cast %reduce_sum3A_191 : vector<1024xf32> to vector<1x1024xf32>
    %get3A_193 = arith.constant 3 : index
    %get3A_194 = arith.constant 0 : index
    %get3A_195 = arith.constant 0 : index
    %get3A_196 = vector.load %arg3[%get3A_193, %get3A_194, %get3A_195] : memref<4x1024x64xf32, #tpu.memory_space<vmem>>, vector<1x1024x64xf32>
    %get3A_197 = vector.shape_cast %get3A_196 : vector<1x1024x64xf32> to vector<1024x64xf32>
    %dot_general3A_198 = arith.constant dense<0.000000e+00> : vector<2048x1024xf32>
    %dot_general3A_199 = tpu.matmul %slice3A_179, %get3A_197, %dot_general3A_198 {dimension_numbers = #tpu.dot_dimension_numbers<[1], [1], [0], [0], [0, 0, 1, 0], [], []>, transpose_lhs_hint = false} : vector<2048x64xf32>, vector<1024x64xf32>, vector<2048x1024xf32> -> vector<2048x1024xf32>
    %add3A_200 = vector.broadcast %broadcast_in_dim3A_188 : vector<2048x1xf32> to vector<2048x1024xf32>
    %add3A_201 = arith.addf %add3A_200, %dot_general3A_199 : vector<2048x1024xf32>
    %add3A_202 = vector.broadcast %broadcast_in_dim3A_192 : vector<1x1024xf32> to vector<2048x1024xf32>
    %add3A_203 = arith.addf %add3A_201, %add3A_202 : vector<2048x1024xf32>
    %reduce_min3A_204 = arith.constant dense<0x7F800000> : vector<2048xf32>
    %reduce_min3A_205 = vector.multi_reduction <minimumf>, %add3A_203, %reduce_min3A_204 [1] : vector<2048x1024xf32> to vector<2048xf32>
    %broadcast_in_dim3A_206 = vector.shape_cast %reduce_min3A_205 : vector<2048xf32> to vector<2048x1xf32>
    %eq3A_207 = vector.broadcast %broadcast_in_dim3A_206 : vector<2048x1xf32> to vector<2048x1024xf32>
    %eq3A_208 = arith.cmpf oeq, %add3A_203, %eq3A_207 : vector<2048x1024xf32>
    %jit3A_209 = arith.constant 2.048000e+03 : f32
    %broadcast_in_dim3A_210 = vector.broadcast %jit3A_209 : f32 to vector<2048x1024xf32>
    %select_n3A_211 = arith.select %eq3A_208, %convert_element_type3A_6, %broadcast_in_dim3A_210 : vector<2048x1024xi1>, vector<2048x1024xf32>
    %reduce_min3A_212 = arith.constant dense<0x7F800000> : vector<2048xf32>
    %reduce_min3A_213 = vector.multi_reduction <minimumf>, %select_n3A_211, %reduce_min3A_212 [1] : vector<2048x1024xf32> to vector<2048xf32>
    %convert_element_type3A_214 = arith.fptosi %reduce_min3A_213 : vector<2048xf32> to vector<2048xi32>
    %broadcast_in_dim3A_215 = vector.shape_cast %convert_element_type3A_214 : vector<2048xi32> to vector<2048x1xi32>
    %eq3A_216 = vector.broadcast %broadcast_in_dim3A_215 : vector<2048x1xi32> to vector<2048x1024xi32>
    %eq3A_217 = arith.cmpi eq, %iota3A, %eq3A_216 : vector<2048x1024xi32>
    %convert_element_type3A_218 = arith.extui %eq3A_217 : vector<2048x1024xi1> to vector<2048x1024xi32>
    %convert_element_type3A_219 = arith.sitofp %convert_element_type3A_218 : vector<2048x1024xi32> to vector<2048x1024xf32>
    %convert_element_type3A_220 = arith.truncf %convert_element_type3A_219 : vector<2048x1024xf32> to vector<2048x1024xbf16>
    %get3A_221 = arith.constant 0 : index
    %get3A_222 = arith.constant 0 : index
    %get3A_223 = vector.load %arg11[%get3A_221, %get3A_222] : memref<1x1024xf32, #tpu.memory_space<vmem>>, vector<1x1024xf32>
    %dot_general3A_224 = arith.constant dense<0.000000e+00> : vector<1x1024xf32>
    %dot_general3A_225 = tpu.matmul %broadcast_in_dim3A_7, %convert_element_type3A_220, %dot_general3A_224 {dimension_numbers = #tpu.dot_dimension_numbers<[1], [0], [0], [1], [0, 0, 1, 1], [], []>, transpose_lhs_hint = false} : vector<1x2048xbf16>, vector<2048x1024xbf16>, vector<1x1024xf32> -> vector<1x1024xf32>
    %add3A_226 = arith.addf %get3A_223, %dot_general3A_225 : vector<1x1024xf32>
    %swap3A_227 = arith.constant 0 : index
    %swap3A_228 = arith.constant 0 : index
    %swap3A_229 = vector.load %arg11[%swap3A_227, %swap3A_228] : memref<1x1024xf32, #tpu.memory_space<vmem>>, vector<1x1024xf32>
    tpu.vector_store %arg11[%swap3A_227, %swap3A_228], %add3A_226 {strides = array<i32>} : memref<1x1024xf32, #tpu.memory_space<vmem>>, vector<1x1024xf32>,
    %reduce_sum3A_230 = vector.shape_cast %broadcast_in_dim3A_206 : vector<2048x1xf32> to vector<1x2048x1xf32>
    %reduce_sum3A_231 = arith.constant dense<0.000000e+00> : vector<1xf32>
    %reduce_sum3A_232 = vector.multi_reduction <add>, %reduce_sum3A_230, %reduce_sum3A_231 [1, 2] : vector<1x2048x1xf32> to vector<1xf32>
    %reduce_sum3A_233 = vector.shape_cast %reduce_sum3A_232 : vector<1xf32> to vector<1x1x1xf32>
    %reduce_sum3A_234 = vector.extract %reduce_sum3A_233[0, 0, 0] : f32 from vector<1x1x1xf32>
    %add3A_235 = arith.addf %add3A_175, %reduce_sum3A_234 : f32
    %add3A_236 = arith.constant 3072 : i32
    %add3A_237 = vector.broadcast %add3A_236 : i32 to vector<2048xi32>
    %add3A_238 = arith.addi %convert_element_type3A_214, %add3A_237 : vector<2048xi32>
    %stack3A = vector.shape_cast %add3A_58 : vector<2048xi32> to vector<2048x1xi32>
    %stack3A_239 = vector.shape_cast %add3A_118 : vector<2048xi32> to vector<2048x1xi32>
    %stack3A_240 = vector.shape_cast %add3A_178 : vector<2048xi32> to vector<2048x1xi32>
    %stack3A_241 = vector.shape_cast %add3A_238 : vector<2048xi32> to vector<2048x1xi32>
    %stack3A_242 = tpu.concatenate %stack3A, %stack3A_239, %stack3A_240, %stack3A_241 in 1 : vector<2048x1xi32>, vector<2048x1xi32>, vector<2048x1xi32>, vector<2048x1xi32> -> vector<2048x4xi32>
    %swap3A_243 = arith.constant 0 : index
    %swap3A_244 = arith.constant 0 : index
    %swap3A_245 = vector.load %arg4[%swap3A_243, %swap3A_244] : memref<2048x4xi32, #tpu.memory_space<vmem>>, vector<2048x4xi32>
    tpu.vector_store %arg4[%swap3A_243, %swap3A_244], %stack3A_242 {strides = array<i32>} : memref<2048x4xi32, #tpu.memory_space<vmem>>, vector<2048x4xi32>,
    %swap3A_246 = arith.constant 0 : index
    %swap3A_247 = memref.load %arg7[%swap3A_246] : memref<1xf32, #tpu.memory_space<smem>>
    memref.store %add3A_235, %arg7[%swap3A_246] : memref<1xf32, #tpu.memory_space<smem>>
    %eq3A_248 = arith.constant 7 : i32
    %eq3A_249 = arith.cmpi eq, %arg0, %eq3A_248 : i32
    %convert_element_type3A_250 = arith.extui %eq3A_249 : i1 to i32
    %cond3A_251 = arith.constant 0 : i32
    %cond3A_252 = arith.cmpi ne, %convert_element_type3A_250, %cond3A_251 : i32
    scf.if %cond3A_252 {
      %get3A_253 = arith.constant 0 : index
      %get3A_254 = memref.load %arg7[%get3A_253] : memref<1xf32, #tpu.memory_space<smem>>
      %div3A = arith.constant 0x4A800000 : f32
      %div3A_255 = arith.divf %get3A_254, %div3A : f32
      %broadcast_in_dim3A_256 = vector.broadcast %div3A_255 : f32 to vector<1x1xf32>
      %swap3A_257 = arith.constant 0 : index
      %swap3A_258 = arith.constant 0 : index
      %swap3A_259 = vector.load %arg5[%swap3A_257, %swap3A_258] : memref<1x1xf32, #tpu.memory_space<vmem>>, vector<1x1xf32>
      tpu.vector_store %arg5[%swap3A_257, %swap3A_258], %broadcast_in_dim3A_256 {strides = array<i32>} : memref<1x1xf32, #tpu.memory_space<vmem>>, vector<1x1xf32>,
      %get3A_260 = arith.constant 0 : index
      %get3A_261 = arith.constant 0 : index
      %get3A_262 = vector.load %arg8[%get3A_260, %get3A_261] : memref<1x1024xf32, #tpu.memory_space<vmem>>, vector<1x1024xf32>
      %div3A_263 = arith.constant 1.638400e+04 : f32
      %div3A_264 = vector.broadcast %div3A_263 : f32 to vector<1x1024xf32>
      %div3A_265 = arith.divf %get3A_262, %div3A_264 : vector<1x1024xf32>
      %jit3A_266 = arith.constant 9.99999993E-9 : f32
      %max3A = vector.broadcast %jit3A_266 : f32 to vector<1x1024xf32>
      %max3A_267 = arith.maximumf %max3A, %div3A_265 : vector<1x1024xf32>
      %log3A = math.log %max3A_267 : vector<1x1024xf32>
      %mul3A_268 = arith.mulf %div3A_265, %log3A : vector<1x1024xf32>
      %reduce_sum3A_269 = vector.shape_cast %mul3A_268 : vector<1x1024xf32> to vector<1x1x1024xf32>
      %reduce_sum3A_270 = arith.constant dense<0.000000e+00> : vector<1xf32>
      %reduce_sum3A_271 = vector.multi_reduction <add>, %reduce_sum3A_269, %reduce_sum3A_270 [1, 2] : vector<1x1x1024xf32> to vector<1xf32>
      %reduce_sum3A_272 = vector.shape_cast %reduce_sum3A_271 : vector<1xf32> to vector<1x1x1xf32>
      %reduce_sum3A_273 = vector.extract %reduce_sum3A_272[0, 0, 0] : f32 from vector<1x1x1xf32>
      %neg3A = arith.constant 0.000000e+00 : f32
      %neg3A_274 = arith.subf %neg3A, %reduce_sum3A_273 : f32
      %exp3A = math.exp %neg3A_274 : f32
      %add3A_275 = arith.constant 0.000000e+00 : f32
      %add3A_276 = arith.addf %add3A_275, %exp3A : f32
      %get3A_277 = arith.constant 0 : index
      %get3A_278 = arith.constant 0 : index
      %get3A_279 = vector.load %arg9[%get3A_277, %get3A_278] : memref<1x1024xf32, #tpu.memory_space<vmem>>, vector<1x1024xf32>
      %div3A_280 = arith.constant 1.638400e+04 : f32
      %div3A_281 = vector.broadcast %div3A_280 : f32 to vector<1x1024xf32>
      %div3A_282 = arith.divf %get3A_279, %div3A_281 : vector<1x1024xf32>
      %jit3A_283 = arith.constant 9.99999993E-9 : f32
      %max3A_284 = vector.broadcast %jit3A_283 : f32 to vector<1x1024xf32>
      %max3A_285 = arith.maximumf %max3A_284, %div3A_282 : vector<1x1024xf32>
      %log3A_286 = math.log %max3A_285 : vector<1x1024xf32>
      %mul3A_287 = arith.mulf %div3A_282, %log3A_286 : vector<1x1024xf32>
      %reduce_sum3A_288 = vector.shape_cast %mul3A_287 : vector<1x1024xf32> to vector<1x1x1024xf32>
      %reduce_sum3A_289 = arith.constant dense<0.000000e+00> : vector<1xf32>
      %reduce_sum3A_290 = vector.multi_reduction <add>, %reduce_sum3A_288, %reduce_sum3A_289 [1, 2] : vector<1x1x1024xf32> to vector<1xf32>
      %reduce_sum3A_291 = vector.shape_cast %reduce_sum3A_290 : vector<1xf32> to vector<1x1x1xf32>
      %reduce_sum3A_292 = vector.extract %reduce_sum3A_291[0, 0, 0] : f32 from vector<1x1x1xf32>
      %neg3A_293 = arith.constant 0.000000e+00 : f32
      %neg3A_294 = arith.subf %neg3A_293, %reduce_sum3A_292 : f32
      %exp3A_295 = math.exp %neg3A_294 : f32
      %add3A_296 = arith.addf %add3A_276, %exp3A_295 : f32
      %get3A_297 = arith.constant 0 : index
      %get3A_298 = arith.constant 0 : index
      %get3A_299 = vector.load %arg10[%get3A_297, %get3A_298] : memref<1x1024xf32, #tpu.memory_space<vmem>>, vector<1x1024xf32>
      %div3A_300 = arith.constant 1.638400e+04 : f32
      %div3A_301 = vector.broadcast %div3A_300 : f32 to vector<1x1024xf32>
      %div3A_302 = arith.divf %get3A_299, %div3A_301 : vector<1x1024xf32>
      %jit3A_303 = arith.constant 9.99999993E-9 : f32
      %max3A_304 = vector.broadcast %jit3A_303 : f32 to vector<1x1024xf32>
      %max3A_305 = arith.maximumf %max3A_304, %div3A_302 : vector<1x1024xf32>
      %log3A_306 = math.log %max3A_305 : vector<1x1024xf32>
      %mul3A_307 = arith.mulf %div3A_302, %log3A_306 : vector<1x1024xf32>
      %reduce_sum3A_308 = vector.shape_cast %mul3A_307 : vector<1x1024xf32> to vector<1x1x1024xf32>
      %reduce_sum3A_309 = arith.constant dense<0.000000e+00> : vector<1xf32>
      %reduce_sum3A_310 = vector.multi_reduction <add>, %reduce_sum3A_308, %reduce_sum3A_309 [1, 2] : vector<1x1x1024xf32> to vector<1xf32>
      %reduce_sum3A_311 = vector.shape_cast %reduce_sum3A_310 : vector<1xf32> to vector<1x1x1xf32>
      %reduce_sum3A_312 = vector.extract %reduce_sum3A_311[0, 0, 0] : f32 from vector<1x1x1xf32>
      %neg3A_313 = arith.constant 0.000000e+00 : f32
      %neg3A_314 = arith.subf %neg3A_313, %reduce_sum3A_312 : f32
      %exp3A_315 = math.exp %neg3A_314 : f32
      %add3A_316 = arith.addf %add3A_296, %exp3A_315 : f32
      %get3A_317 = arith.constant 0 : index
      %get3A_318 = arith.constant 0 : index
      %get3A_319 = vector.load %arg11[%get3A_317, %get3A_318] : memref<1x1024xf32, #tpu.memory_space<vmem>>, vector<1x1024xf32>
      %div3A_320 = arith.constant 1.638400e+04 : f32
      %div3A_321 = vector.broadcast %div3A_320 : f32 to vector<1x1024xf32>
      %div3A_322 = arith.divf %get3A_319, %div3A_321 : vector<1x1024xf32>
      %jit3A_323 = arith.constant 9.99999993E-9 : f32
      %max3A_324 = vector.broadcast %jit3A_323 : f32 to vector<1x1024xf32>
      %max3A_325 = arith.maximumf %max3A_324, %div3A_322 : vector<1x1024xf32>
      %log3A_326 = math.log %max3A_325 : vector<1x1024xf32>
      %mul3A_327 = arith.mulf %div3A_322, %log3A_326 : vector<1x1024xf32>
      %reduce_sum3A_328 = vector.shape_cast %mul3A_327 : vector<1x1024xf32> to vector<1x1x1024xf32>
      %reduce_sum3A_329 = arith.constant dense<0.000000e+00> : vector<1xf32>
      %reduce_sum3A_330 = vector.multi_reduction <add>, %reduce_sum3A_328, %reduce_sum3A_329 [1, 2] : vector<1x1x1024xf32> to vector<1xf32>
      %reduce_sum3A_331 = vector.shape_cast %reduce_sum3A_330 : vector<1xf32> to vector<1x1x1xf32>
      %reduce_sum3A_332 = vector.extract %reduce_sum3A_331[0, 0, 0] : f32 from vector<1x1x1xf32>
      %neg3A_333 = arith.constant 0.000000e+00 : f32
      %neg3A_334 = arith.subf %neg3A_333, %reduce_sum3A_332 : f32
      %exp3A_335 = math.exp %neg3A_334 : f32
      %add3A_336 = arith.addf %add3A_316, %exp3A_335 : f32
      %div3A_337 = arith.constant 4.000000e+00 : f32
      %div3A_338 = arith.divf %add3A_336, %div3A_337 : f32
      %broadcast_in_dim3A_339 = vector.broadcast %div3A_338 : f32 to vector<1x1xf32>
      %swap3A_340 = arith.constant 0 : index
      %swap3A_341 = arith.constant 0 : index
      %swap3A_342 = vector.load %arg6[%swap3A_340, %swap3A_341] : memref<1x1xf32, #tpu.memory_space<vmem>>, vector<1x1xf32>
      tpu.vector_store %arg6[%swap3A_340, %swap3A_341], %broadcast_in_dim3A_339 {strides = array<i32>} : memref<1x1xf32, #tpu.memory_space<vmem>>, vector<1x1xf32>,
    } else {
    }
    return
  }
  func.func @transform_0(%arg0: i32) -> (i32, i32) {
    %c0_i32 = arith.constant 0 : i32
    %c0_i32_0 = arith.constant 0 : i32
    return %arg0, %c0_i32 : i32, i32
  }
  func.func @transform_1(%arg0: i32) -> (i32, i32, i32) {
    %c0_i32 = arith.constant 0 : i32
    %c0_i32_0 = arith.constant 0 : i32
    %c0_i32_1 = arith.constant 0 : i32
    %c0_i32_2 = arith.constant 0 : i32
    return %c0_i32, %c0_i32_0, %c0_i32_1 : i32, i32, i32
  }
  func.func @transform_2(%arg0: i32) -> (i32, i32, i32) {
    %c0_i32 = arith.constant 0 : i32
    %c0_i32_0 = arith.constant 0 : i32
    %c0_i32_1 = arith.constant 0 : i32
    %c0_i32_2 = arith.constant 0 : i32
    return %c0_i32, %c0_i32_0, %c0_i32_1 : i32, i32, i32
  }
  func.func @transform_3(%arg0: i32) -> (i32, i32) {
    %c0_i32 = arith.constant 0 : i32
    %c0_i32_0 = arith.constant 0 : i32
    return %arg0, %c0_i32 : i32, i32
  }
  func.func @transform_4(%arg0: i32) -> (i32, i32) {
    %c0_i32 = arith.constant 0 : i32
    %c0_i32_0 = arith.constant 0 : i32
    %c0_i32_1 = arith.constant 0 : i32
    return %c0_i32, %c0_i32_0 : i32, i32
  }
  func.func @transform_5(%arg0: i32) -> (i32, i32) {
    %c0_i32 = arith.constant 0 : i32
    %c0_i32_0 = arith.constant 0 : i32
    %c0_i32_1 = arith.constant 0 : i32
    return %c0_i32, %c0_i32_0 : i32, i32
  }
}

</mosaic_0001>

<sc_bundles>
// kernel: kernel.4.cloned.1.call-start
scs
__scs_entry_jumppad:
0x0: {  	(pc) =	sbr.rel $0x88, $3  }
0x1: {  	(tag) =	ssettag $0x0;
	lr =	simm.s32 $0x1  }
0x2: {  	[smem:$0x3F9F] =	sst lr;
	_ =	strace $0xD0000000  }
0x3: {  	_ = 	snop  }
0x4: {  	_ = 	snop  }
0x5: {  	_ = 	snop  }
0x6: {  	_ = 	snop  }
0x7: {  	_ = 	snop  }
__scs_overlays_trampoline_lowered:
0x8: {  	[smem:$0x3FAE] =	sst s0  }
0x9: {  	[smem:$0x3FAF] =	sst s1  }
0xa: {  	[smem:$0x3FB0] =	sst s2  }
0xb: {  	[smem:$0x3FB1] =	sst s3  }
0xc: {  	[smem:$0x3FB2] =	sst s4  }
0xd: {  	[smem:$0x3FB3] =	sst s5  }
0xe: {  	[smem:$0x3FB4] =	sst s6  }
0xf: {  	[smem:$0x3FB5] =	sst s7  }
0x10: {  	[smem:$0x3FB6] =	sst s8  }
0x11: {  	[smem:$0x3FB7] =	sst s9;
	s0 =	simm.s32 @!p0 $0x0  }
0x12: {  	s1 =	sld [smem:$0x3F9D];
	s0 =	simm.s32 @p0 $0x1  }
0x13: {  	[smem:$0x3FB8] =	sst s0;
	s0 =	simm.s32 @!p1 $0x0  }
0x14: {  	s2 =	sld [smem:$0x3F9C];
	s0 =	simm.s32 @p1 $0x1  }
0x15: {  	[smem:$0x3FB9] =	sst s0;
	s0 =	simm.s32 @!p2 $0x0  }
0x16: {  	s3 =	sld [smem:$0x3FDB];
	s0 =	simm.s32 @p2 $0x1  }
0x17: {  	s4 =	simm.s32 $0x1BF5;
	[smem:$0x3FBB] =	sst s0  }
0x18: {  	s0 =	sld [smem:$0x3F9E];
	_ =	swait.ge [sflag:s4], $0x0  }
0x19: {  	s7 =	sld [smem:$0x3F9F]  }
0x1a: {  	s8 =	sadd.s32 $0xFFFFE003, lr  }
0x1b: {  	s9 =	sadd.s32 $0xFFFFFEF7, lr;
	s5 =	simm.s32 $0xFFFFFFFF;
	p2 =	slt.u32 s8, $0xFFFFF086  }
0x1c: {  	p1 =	slt.u32 s9, $0xF7A;
	s5 =	simm.s32 @!p2 $0x0  }
0x1d: {  	s5 =	simm.s32 @p1 $0x1;
	p0 =	seq.s32 s7, s2  }
0x1e: {  	s7 =	smul.u32 @!p0 $0xF7A, s2;
	p2 =	seq.s32 @!p0 s5, $0x0  }
0x1f: {  	s9 =	smul.u32 $0xF7A, s1;
	s8 =	simm.s32 @!p0 $0x1BF5;
	p2 =	por !p2, p0  }
0x20: {  	[sflag:s8] =	ssyncset.s32 @!p0 $0xFFFFF086;
	s6 =	sadd.s32 @!p0 s3, s7;
	s7 =	simm.s32 @!p0 $0x108  }
0x21: {  	s3 =	sadd.s32 s3, s9;
	s6 =	sadd.s32 @!p0 $0x88, s6;
	s7 =	simm.s32 @p2 $0x1082  }
0x22: {  	[simem:s7], [sflag:s8] =	dma.local @!p0 [hbm:s6], $0xF7A  }
0x23: {  	s9 =	sor.u32 $0xD0000000, s2;
	s6 =	simm.s32 $0x108;
	_ =	swait.ge @!p0 [sflag:s8], $0x0  }
0x24: {  	s3 =	sadd.s32 $0x88, s3;
	s6 =	simm.s32 @!p1 $0x1082;
	[sflag:s4] =	ssyncset.s32 $0xFFFFF086  }
0x25: {  	[simem:s6], [sflag:s4] =	dma.local [hbm:s3], $0xF7A  }
0x26: {  	[smem:$0x3F9F] =	sst s1;
	(tag) =	ssettag s2;
	_ =	strace s9  }
0x27: {  	s1 =	sld [smem:$0x3FAF]  }
0x28: {  	s2 =	sld [smem:$0x3FB0]  }
0x29: {  	s4 =	sld [smem:$0x3FB2]  }
0x2a: {  	p0 =	seq.s32 s5, $0x0;
	s5 =	sld [smem:$0x3FB3]  }
0x2b: {  	s6 =	sld [smem:$0x3FB4]  }
0x2c: {  	s7 =	sld [smem:$0x3FB5]  }
0x2d: {  	s3 =	simm.s32 $0x108;
	s8 =	sld [smem:$0x3FB6]  }
0x2e: {  	s3 =	simm.s32 @!p0 $0x1082;
	s9 =	sld [smem:$0x3FB7]  }
0x2f: {  	lr =	sadd.s32 s0, s3;
	s0 =	sld [smem:$0x3FAE]  }
0x30: {  	s3 =	sld [smem:$0x3FB1]  }
0x31: {  	[smem:$0x3FBA] =	sst s10  }
0x32: {  	s10 =	sld [smem:$0x3FB8];
	_ =	sdelay $0x3  }
0x33: {  	p0 =	seq.s32 s10, $0x1;
	s10 =	sld [smem:$0x3FBA];
	_ =	sdelay $0x3  }
0x34: {  	[smem:$0x3FBA] =	sst s10  }
0x35: {  	s10 =	sld [smem:$0x3FB9];
	_ =	sdelay $0x3  }
0x36: {  	p1 =	seq.s32 s10, $0x1;
	s10 =	sld [smem:$0x3FBA];
	_ =	sdelay $0x3  }
0x37: {  	[smem:$0x3FBA] =	sst s10  }
0x38: {  	s10 =	sld [smem:$0x3FBB]  }
0x39: {  	_ = 	snop;
	(pc) =	sbr.ind lr, $3  }
0x3a: {  	_ = 	snop  }
0x3b: {  	_ = 	snop  }
0x3c: {  	p2 =	seq.s32 s10, $0x1;
	s10 =	sld [smem:$0x3FBA]  }
0x3d: {  	_ =	shalt  }
0x3e: {  	_ =	shalt  }
0x3f: {  	_ =	shalt  }
0x40: {  	_ =	shalt  }
0x41: {  	_ =	shalt  }
0x42: {  	_ =	shalt  }
0x43: {  	_ =	shalt  }
0x44: {  	_ =	shalt  }
0x45: {  	_ =	shalt  }
0x46: {  	_ =	shalt  }
0x47: {  	_ =	shalt  }
0x48: {  	_ =	shalt  }
0x49: {  	_ =	shalt  }
0x4a: {  	_ =	shalt  }
0x4b: {  	_ =	shalt  }
0x4c: {  	_ =	shalt  }
0x4d: {  	_ =	shalt  }
0x4e: {  	_ =	shalt  }
0x4f: {  	_ =	shalt  }
0x50: {  	_ =	shalt  }
0x51: {  	_ =	shalt  }
0x52: {  	_ =	shalt  }
0x53: {  	_ =	shalt  }
0x54: {  	_ =	shalt  }
0x55: {  	_ =	shalt  }
0x56: {  	_ =	shalt  }
0x57: {  	_ =	shalt  }
0x58: {  	_ =	shalt  }
0x59: {  	_ =	shalt  }
0x5a: {  	_ =	shalt  }
0x5b: {  	_ =	shalt  }
0x5c: {  	_ =	shalt  }
0x5d: {  	_ =	shalt  }
0x5e: {  	_ =	shalt  }
0x5f: {  	_ =	shalt  }
0x60: {  	_ =	shalt  }
0x61: {  	_ =	shalt  }
0x62: {  	_ =	shalt  }
0x63: {  	_ =	shalt  }
0x64: {  	_ =	shalt  }
0x65: {  	_ =	shalt  }
0x66: {  	_ =	shalt  }
0x67: {  	_ =	shalt  }
0x68: {  	_ =	shalt  }
0x69: {  	_ =	shalt  }
0x6a: {  	_ =	shalt  }
0x6b: {  	_ =	shalt  }
0x6c: {  	_ =	shalt  }
0x6d: {  	_ =	shalt  }
0x6e: {  	_ =	shalt  }
0x6f: {  	_ =	shalt  }
0x70: {  	_ =	shalt  }
0x71: {  	_ =	shalt  }
0x72: {  	_ =	shalt  }
0x73: {  	_ =	shalt  }
0x74: {  	_ =	shalt  }
0x75: {  	_ =	shalt  }
0x76: {  	_ =	shalt  }
0x77: {  	_ =	shalt  }
0x78: {  	_ =	shalt  }
0x79: {  	_ =	shalt  }
0x7a: {  	_ =	shalt  }
0x7b: {  	_ =	shalt  }
0x7c: {  	_ =	shalt  }
0x7d: {  	_ =	shalt  }
0x7e: {  	_ =	shalt  }
0x7f: {  	_ =	shalt  }
0x80: {  	_ =	shalt  }
0x81: {  	_ =	shalt  }
0x82: {  	_ =	shalt  }
0x83: {  	_ =	shalt  }
0x84: {  	_ =	shalt  }
0x85: {  	_ =	shalt  }
0x86: {  	_ =	shalt  }
0x87: {  	_ =	shalt  }
.Lfunc_end0:
.L_simem_size_0:
called_computation_lowered:
.L_overlay_start_0:
0x88: {  	s2 =	sld [smem:$0x3FD9]  }
0x89: {  	s3 =	sld [smem:$0x3FFE];
	_ =	sdelay $0x1  }
0x8a: {  	s1 =	srdreg.scid  }
0x8b: {  	s0 =	sand.u32 $0x1, s1  }
0x8c: {  	s14 =	sshll.u32 s0, $0xA;
	s2 =	sadd.s32 s3, s2  }
0x8d: {  	s2 =	sadd.s32 s2, s14  }
0x8e: {  	[smem:$0x3FC6] =	sst s2  }
0x8f: {  	_ = 	snop  }
0x90: {  	s2 =	sld [smem:$0x3FD0];
	_ =	sdelay $0x2  }
0x91: {  	s15 =	simm.s32 $0xA;
	s4 =	simm.s32 $0x10  }
0x92: {  	[smem:s4], [sflag:s15] =	dma.local [hbm:s2], $0x1  }
0x93: {  	_ =	swait.eq [sflag:s15], $0x1  }
0x94: {  	[sflag:s15] =	ssyncset.done $0x0  }
0x95: {  	s16 =	sld [smem:$0x11];
	[sflag:s15] =	ssyncadd.s32 $0xFFFFFFFF  }
0x96: {  	s17 =	sld [smem:$0x12];
	(tm) =	ssettm $0x1  }
0x97: {  	s18 =	sld [smem:$0x3FFB];
	_ =	sdelay $0x3  }
0x98: {  	_ =	strace s18  }
0x99: {  	s4 =	sld [smem:$0x3FFC];
	_ =	sdelay $0x3  }
0x9a: {  	_ =	strace s4  }
0x9b: {  	s4 =	sld [smem:$0x3FFD];
	_ =	sdelay $0x3  }
0x9c: {  	_ =	strace s4  }
0x9d: {  	_ =	strace $0x8FFFFFFF  }
0x9e: {  	s19 =	sld [smem:$0x3FDB];
	_ =	sdelay $0x1  }
0x9f: {  	s5 =	simm.s32 $_scs_section_size  }
0xa0: {  	s6 =	simm.s32 $_size__tile_overlayer_lowered;
	s7 =	simm.s32 $_tile_overlayer_lowered  }
0xa1: {  	s22 =	simm.s32 $0x1BFF;
	s21 =	sshll.u32 s7, $0x1;
	s4 =	sadd.s32 s5, s19  }
0xa2: {  	s8 =	simm.s32 $0x0;
	s20 =	sshll.u32 s6, $0x1;
	s6 =	sadd.s32 s21, s4  }
0xa3: {  	[timem:s8], [sflag:s22] =	dma.local [hbm:s6], s20  }
0xa4: {  	_ =	swait.ge [sflag:s22], s20  }
0xa5: {  	s5 =	ssub.s32 $0x0, s20;
	[sflag:s22] =	ssyncset.done $0x0  }
0xa6: {  	[sflag:s22] =	ssyncadd.s32 s5;
	_ =	sdelay $0x1  }
0xa7: {  	s23 =	simm.s32 $0x1B8B  }
0xa8: {  	_ =	swait.ge [sflag:s23], $0x1  }
0xa9: {  	[sflag:s23] =	ssyncset.done $0x0  }
0xaa: {  	s25 =	simm.s32 $0x1B8E;
	s24 =	sld [smem:$0x3FFE];
	[sflag:s23] =	ssyncadd.s32 $0xFFFFFFFF  }
0xab: {  	s26 =	simm.s32 $execute0_lowered;
	[smem:$0x3FD2] =	sst s25  }
0xac: {  	s6 =	sshll.u32 s26, $0x1;
	_ =	strace $0x80000046;
	[dreg:$0x1] =	wrdreg $0xFFFFFFFF  }
0xad: {  	s28 =	simm.s32 $_size_execute0_lowered;
	s4 =	sadd.s32 s4, s6;
	[dreg:$0x0] =	wrdreg $0x0  }
0xae: {  	s6 =	sshll.u32 s28, $0x1;
	[dreg:$0x2] =	wrdreg s4  }
0xaf: {  	[dreg:$0x3] =	wrdreg s6  }
0xb0: {  	[dreg:$0x4] =	wrdreg $0xC0  }
0xb1: {  	_ =	task [dreg:s8], $0x5FFFF  }
0xb2: {  	[dreg:$0x1] =	wrdreg $0xFFFFFFFF  }
0xb3: {  	[dreg:$0x0] =	wrdreg $0x60  }
0xb4: {  	[dreg:$0x2] =	wrdreg s17  }
0xb5: {  	[dreg:$0x3] =	wrdreg s16  }
0xb6: {  	[dreg:$0x4] =	wrdreg s24  }
0xb7: {  	[dreg:$0x5] =	wrdreg $0x9  }
0xb8: {  	_ =	task.clear_ibuf [dreg:s8], $0x6FFFF;
	_ =	strace $0x90000046  }
0xb9: {  	s29 =	simm.s32 $0x9;
	_ =	strace $0x80000048  }
0xba: {  	_ =	swait.ge [sflag:s29], $0x1  }
0xbb: {  	[sflag:s29] =	ssyncadd.s32 $0xFFFFFFFF  }
0xbc: {  	_ =	strace $0x90000048  }
0xbd: {  	_ =	sfence  }
0xbe: {  	s30 =	sld [smem:$0x0];
	_ =	sdelay $0x2  }
0xbf: {  	s31 =	sshll.u32 s1, $0xD;
	s1 =	sshrl.u32 s1, $0x2  }
0xc0: {  	s3 =	sand.u32 $0x4000, s31;
	s1 =	sadd.s32 s1, s30  }
0xc1: {  	s0 =	sor.u32 s3, s0;
	s1 =	sshll.u32 s1, $0x11  }
0xc2: {  	s0 =	sor.u32 s1, s0  }
0xc3: {  	s0 =	sadd.s32 $0x8F2B, s0  }
0xc4: {  	[sflag:s0] =	ssyncadd.remote.s32 $0x1  }
0xc5: {  	_ =	sfence.sel $0xFFFF  }
0xc6: {  	[dreg:$0x0] =	wrdreg $0xFFFFFFFF;
	(pc) =	sbr.abs _section_cstart, $3  }
0xc7: {  	[dreg:$0x1] =	wrdreg $0xFFFFFFFF  }
0xc8: {  	_ =	task.clear_ibuf [dreg:s8], $0x2FFFF;
	_ =	strace $0x9FFFFFFF  }
0xc9: {  	(tm) =	ssettm $0x7FFFFFFF  }
tec
execute0_lowered:
.L_overlay_start_1:
0x0: {  	(tag) =	ssettag $0x1  }
0x1: {  	s1 =	rddreg [dreg:$0x0];
	s2 =	srdreg.scid  }
0x2: {  	s4 =	rddreg [dreg:$0x1];
	s0 =	stileid.u32;
	s17 =	sand.u32 $0x1, s2  }
0x3: {  	s10 =	rddreg [dreg:$0x2];
	s5 =	sshll.u32 s0, $0xC;
	s6 =	sshll.u32 s17, $0xB  }
0x4: {  	s3 =	simm.s32 $0x0;
	s2 =	rddreg [dreg:$0x3];
	s9 =	sor.u32 s6, s5  }
0x5: {  	[smem:$0x7FF] =	sst s3;
	s5 =	sshrl.u32 s9, $0x3  }
0x6: {  	_ =	strace $0x80000047;
	s5 =	sadd.s32 s4, s5;
	s4 =	simm.s32 $0x2  }
0x7: {  	[tilespmem:s3], [sflag:$0x2] =	stream.linear.gather [hbm4b:s5+s3], $0x800, $0x38;
	[tilespmem:$0x10800] =	vst v63  }
0x8: {  	_ =	swait.ge [sflag:s4], $0x800  }
0x9: {  	s7 =	simm.s32 $0x800;
	[sflag:s4] =	ssyncset.done $0x0  }
0xa: {  	s8 =	simm.s32 $0x1;
	s6 =	simm.s32 $0x200;
	[sflag:s4] =	ssyncadd.s32 $0xFFFFF800  }
0xb: {  	[tilespmem:s7], [sflag:$0x1] =	stream.indirect.gather [hbm4b:s1+s6], $0x80, s3, s6, $0xb8;
	[tilespmem:$0x10800] =	vst v63  }
0xc: {  	_ =	swait.ge [sflag:s8], $0x10000  }
0xd: {  	s18 =	sadd.s32 $0x100A00, s10;
	s19 =	sshll.u32 s9, $0x4;
	[sflag:s8] =	ssyncset.done $0x0  }
0xe: {  	s9 =	sadd.s32 s18, s19;
	[sflag:s8] =	ssyncadd.s32 $0xFFFF0000  }
0xf: {  	[hbm4b:s9+s3] =	stream.linear.scatter [tilespmem:s7], [sflag:$0x2], $0x10000, $0x38;
	[tilespmem:$0x10800] =	vst v63  }
0x10: {  	_ =	swait.ge [sflag:s4], $0x10000  }
0x11: {  	s20 =	sadd.s32 $0xA00, s10;
	[sflag:s4] =	ssyncset.done $0x0  }
0x12: {  	s10 =	sadd.s32 s20, s19;
	[sflag:s4] =	ssyncadd.s32 $0xFFFF0000  }
0x13: {  	[hbm4b:s10+s3] =	stream.linear.scatter [tilespmem:s7], [sflag:$0x2], $0x10000, $0x38;
	[tilespmem:$0x10800] =	vst v63  }
0x14: {  	_ =	swait.ge [sflag:s4], $0x10000  }
0x15: {  	[sflag:s4] =	ssyncset.done $0x0  }
0x16: {  	[sflag:s4] =	ssyncadd.s32 $0xFFFF0000  }
0x17: {  	[tilespmem:s7], [sflag:$0x1] =	stream.indirect.gather [hbm4b:s1+s6], $0x80, s6, s6, $0xb8;
	[tilespmem:$0x10800] =	vst v63  }
0x18: {  	_ =	swait.ge [sflag:s8], $0x10000  }
0x19: {  	s12 =	sor.u32 $0x2000, s19;
	[sflag:s8] =	ssyncset.done $0x0  }
0x1a: {  	s11 =	sadd.s32 s18, s12;
	[sflag:s8] =	ssyncadd.s32 $0xFFFF0000  }
0x1b: {  	[hbm4b:s11+s3] =	stream.linear.scatter [tilespmem:s7], [sflag:$0x2], $0x10000, $0x38;
	[tilespmem:$0x10800] =	vst v63  }
0x1c: {  	_ =	swait.ge [sflag:s4], $0x10000  }
0x1d: {  	[sflag:s4] =	ssyncset.done $0x0  }
0x1e: {  	s12 =	sadd.s32 s20, s12;
	[sflag:s4] =	ssyncadd.s32 $0xFFFF0000  }
0x1f: {  	[hbm4b:s12+s3] =	stream.linear.scatter [tilespmem:s7], [sflag:$0x2], $0x10000, $0x38;
	[tilespmem:$0x10800] =	vst v63  }
0x20: {  	_ =	swait.ge [sflag:s4], $0x10000  }
0x21: {  	[sflag:s4] =	ssyncset.done $0x0  }
0x22: {  	s13 =	simm.s32 $0x400;
	[sflag:s4] =	ssyncadd.s32 $0xFFFF0000  }
0x23: {  	[tilespmem:s7], [sflag:$0x1] =	stream.indirect.gather [hbm4b:s1+s6], $0x80, s13, s6, $0xb8;
	[tilespmem:$0x10800] =	vst v63  }
0x24: {  	_ =	swait.ge [sflag:s8], $0x10000  }
0x25: {  	s15 =	sor.u32 $0x4000, s19;
	[sflag:s8] =	ssyncset.done $0x0  }
0x26: {  	s14 =	sadd.s32 s18, s15;
	[sflag:s8] =	ssyncadd.s32 $0xFFFF0000  }
0x27: {  	[hbm4b:s14+s3] =	stream.linear.scatter [tilespmem:s7], [sflag:$0x2], $0x10000, $0x38;
	[tilespmem:$0x10800] =	vst v63  }
0x28: {  	_ =	swait.ge [sflag:s4], $0x10000  }
0x29: {  	[sflag:s4] =	ssyncset.done $0x0  }
0x2a: {  	s15 =	sadd.s32 s20, s15;
	[sflag:s4] =	ssyncadd.s32 $0xFFFF0000  }
0x2b: {  	[hbm4b:s15+s3] =	stream.linear.scatter [tilespmem:s7], [sflag:$0x2], $0x10000, $0x38;
	[tilespmem:$0x10800] =	vst v63  }
0x2c: {  	_ =	swait.ge [sflag:s4], $0x10000  }
0x2d: {  	[sflag:s4] =	ssyncset.done $0x0  }
0x2e: {  	s16 =	simm.s32 $0x600;
	s21 =	ssub.s32 $0x2, s17;
	[sflag:s4] =	ssyncadd.s32 $0xFFFF0000  }
0x2f: {  	[tilespmem:s7], [sflag:$0x1] =	stream.indirect.gather [hbm4b:s1+s6], $0x80, s16, s6, $0xb8;
	[tilespmem:$0x10800] =	vst v63  }
0x30: {  	s30 =	sshrl.u32 s21, $0x1;
	_ =	swait.ge [sflag:s8], $0x10000  }
0x31: {  	s21 =	ssub.s32 s21, s30;
	s19 =	sor.u32 $0x6000, s19;
	[sflag:s8] =	ssyncset.done $0x0  }
0x32: {  	s31 =	smax.u32 s21, $0x1;
	s17 =	sadd.s32 s18, s19;
	[sflag:s8] =	ssyncadd.s32 $0xFFFF0000  }
0x33: {  	[hbm4b:s17+s3] =	stream.linear.scatter [tilespmem:s7], [sflag:$0x2], $0x10000, $0x38;
	[tilespmem:$0x10800] =	vst v63  }
0x34: {  	p0 =	sne.s32 s31, $0x1;
	_ =	swait.ge [sflag:s4], $0x10000  }
.Ltmp0:
0x35: {  	[sflag:s4] =	ssyncset.done $0x0;
	(pc) =	sbr.rel @!p0 .LBB2_2-.Ltmp0, $4  }
0x36: {  	s18 =	sadd.s32 s20, s19;
	[sflag:s4] =	ssyncadd.s32 $0xFFFF0000  }
0x37: {  	[hbm4b:s18+s3] =	stream.linear.scatter [tilespmem:s7], [sflag:$0x2], $0x10000, $0x38;
	[tilespmem:$0x10800] =	vst v63  }
0x38: {  	_ =	swait.ge [sflag:s4], $0x10000  }
0x39: {  	s19 =	sadd.s32 $0xFFFFFFFF, s31;
	[sflag:s4] =	ssyncset.done $0x0  }
.LBB2_1:
0x3a: {  	p0 =	sne.s32 s19, $0x1;
	s19 =	sadd.s32 $0xFFFFFFFF, s19;
	[sflag:s4] =	ssyncadd.s32 $0xFFFF0000  }
0x3b: {  	[tilespmem:s3], [sflag:$0x2] =	stream.linear.gather [hbm4b:s5+s3], $0x800, $0x38;
	[tilespmem:$0x10800] =	vst v63  }
0x3c: {  	_ =	swait.ge [sflag:s4], $0x800  }
0x3d: {  	[sflag:s4] =	ssyncset.done $0x0  }
0x3e: {  	[sflag:s4] =	ssyncadd.s32 $0xFFFFF800  }
0x3f: {  	[tilespmem:s7], [sflag:$0x1] =	stream.indirect.gather [hbm4b:s1+s6], $0x80, s3, s6, $0xb8;
	[tilespmem:$0x10800] =	vst v63  }
0x40: {  	_ =	swait.ge [sflag:s8], $0x10000  }
0x41: {  	[sflag:s8] =	ssyncset.done $0x0  }
0x42: {  	[sflag:s8] =	ssyncadd.s32 $0xFFFF0000  }
0x43: {  	[hbm4b:s9+s3] =	stream.linear.scatter [tilespmem:s7], [sflag:$0x2], $0x10000, $0x38;
	[tilespmem:$0x10800] =	vst v63  }
0x44: {  	_ =	swait.ge [sflag:s4], $0x10000  }
0x45: {  	[sflag:s4] =	ssyncset.done $0x0  }
0x46: {  	[sflag:s4] =	ssyncadd.s32 $0xFFFF0000  }
0x47: {  	[hbm4b:s10+s3] =	stream.linear.scatter [tilespmem:s7], [sflag:$0x2], $0x10000, $0x38;
	[tilespmem:$0x10800] =	vst v63  }
0x48: {  	_ =	swait.ge [sflag:s4], $0x10000  }
0x49: {  	[sflag:s4] =	ssyncset.done $0x0  }
0x4a: {  	[sflag:s4] =	ssyncadd.s32 $0xFFFF0000  }
0x4b: {  	[tilespmem:s7], [sflag:$0x1] =	stream.indirect.gather [hbm4b:s1+s6], $0x80, s6, s6, $0xb8;
	[tilespmem:$0x10800] =	vst v63  }
0x4c: {  	_ =	swait.ge [sflag:s8], $0x10000  }
0x4d: {  	[sflag:s8] =	ssyncset.done $0x0  }
0x4e: {  	[sflag:s8] =	ssyncadd.s32 $0xFFFF0000  }
0x4f: {  	[hbm4b:s11+s3] =	stream.linear.scatter [tilespmem:s7], [sflag:$0x2], $0x10000, $0x38;
	[tilespmem:$0x10800] =	vst v63  }
0x50: {  	_ =	swait.ge [sflag:s4], $0x10000  }
0x51: {  	[sflag:s4] =	ssyncset.done $0x0  }
0x52: {  	[sflag:s4] =	ssyncadd.s32 $0xFFFF0000  }
0x53: {  	[hbm4b:s12+s3] =	stream.linear.scatter [tilespmem:s7], [sflag:$0x2], $0x10000, $0x38;
	[tilespmem:$0x10800] =	vst v63  }
0x54: {  	_ =	swait.ge [sflag:s4], $0x10000  }
0x55: {  	[sflag:s4] =	ssyncset.done $0x0  }
0x56: {  	[sflag:s4] =	ssyncadd.s32 $0xFFFF0000  }
0x57: {  	[tilespmem:s7], [sflag:$0x1] =	stream.indirect.gather [hbm4b:s1+s6], $0x80, s13, s6, $0xb8;
	[tilespmem:$0x10800] =	vst v63  }
0x58: {  	_ =	swait.ge [sflag:s8], $0x10000  }
0x59: {  	[sflag:s8] =	ssyncset.done $0x0  }
0x5a: {  	[sflag:s8] =	ssyncadd.s32 $0xFFFF0000  }
0x5b: {  	[hbm4b:s14+s3] =	stream.linear.scatter [tilespmem:s7], [sflag:$0x2], $0x10000, $0x38;
	[tilespmem:$0x10800] =	vst v63  }
0x5c: {  	_ =	swait.ge [sflag:s4], $0x10000  }
0x5d: {  	[sflag:s4] =	ssyncset.done $0x0  }
0x5e: {  	[sflag:s4] =	ssyncadd.s32 $0xFFFF0000  }
0x5f: {  	[hbm4b:s15+s3] =	stream.linear.scatter [tilespmem:s7], [sflag:$0x2], $0x10000, $0x38;
	[tilespmem:$0x10800] =	vst v63  }
0x60: {  	_ =	swait.ge [sflag:s4], $0x10000  }
0x61: {  	[sflag:s4] =	ssyncset.done $0x0  }
0x62: {  	[sflag:s4] =	ssyncadd.s32 $0xFFFF0000  }
0x63: {  	[tilespmem:s7], [sflag:$0x1] =	stream.indirect.gather [hbm4b:s1+s6], $0x80, s16, s6, $0xb8;
	[tilespmem:$0x10800] =	vst v63  }
0x64: {  	_ =	swait.ge [sflag:s8], $0x10000  }
0x65: {  	[sflag:s8] =	ssyncset.done $0x0  }
0x66: {  	[sflag:s8] =	ssyncadd.s32 $0xFFFF0000  }
0x67: {  	[hbm4b:s17+s3] =	stream.linear.scatter [tilespmem:s7], [sflag:$0x2], $0x10000, $0x38;
	[tilespmem:$0x10800] =	vst v63  }
0x68: {  	_ =	swait.ge [sflag:s4], $0x10000  }
.Ltmp1:
0x69: {  	[sflag:s4] =	ssyncset.done $0x0;
	(pc) =	sbr.rel @p0 .LBB2_1-.Ltmp1, $4  }
0x6a: {  	[sflag:s4] =	ssyncadd.s32 $0xFFFF0000  }
0x6b: {  	[hbm4b:s18+s3] =	stream.linear.scatter [tilespmem:s7], [sflag:$0x2], $0x10000, $0x38;
	[tilespmem:$0x10800] =	vst v63  }
0x6c: {  	_ =	swait.ge [sflag:s4], $0x10000  }
0x6d: {  	[sflag:s4] =	ssyncset.done $0x0  }
.LBB2_2:
0x6e: {  	[sflag:s4] =	ssyncadd.s32 $0xFFFF0000  }
0x6f: {  	_ =	sfence.sel $0x180000  }
0x70: {  	[bflag:$0x0] =	sbarrier.arrive $0xFFFF  }
0x71: {  	p0 =	sne.s32 s0, $0x0;
	_ =	strace $0x90000047  }
0x72: {  	s0 =	sadd.s32 @!p0 $0x100000, s2;
	[bflag:$0x2] =	sbarrier.arrive $0xFFFF  }
0x73: {  	[sflag:s0] =	ssyncadd.tile.s32 @!p0 $0x1;
	_ =	shalt  }
.Lfunc_end2:
_tile_overlayer_lowered:
.L_overlay_start_2:
0x74: {  	(tag) =	ssettag $0x2  }
0x75: {  	s0 =	rddreg [dreg:$0x0];
	s2 =	stileid.u32  }
0x76: {  	s1 =	rddreg [dreg:$0x1];
	p0 =	sne.s32 s2, $0x0  }
0x77: {  	s3 =	rddreg [dreg:$0x2];
	[bflag:$0x3] =	sbarrier.arrive $0xFFFF;
	s2 =	simm.s32 @!p0 $0x1C02  }
0x78: {  	[timem:s3], [sflag:s2] =	dma.local @!p0 [hbm:s0], s1  }
0x79: {  	s0 =	simm.s32 @!p0 $0x2  }
0x7a: {  	_ =	swait.ge @!p0 [sflag:s0], s1  }
0x7b: {  	s1 =	ssub.s32 @!p0 $0x0, s1;
	[sflag:s0] =	ssyncset.done @!p0 $0x0  }
0x7c: {  	[sflag:s0] =	ssyncadd.s32 @!p0 s1  }
0x7d: {  	[bflag:$0x3] =	sbarrier.arrive $0xFFFF  }
0x7e: {  	_ =	shalt  }

</sc_bundles>
